<compile_context>
chip_gen: v7x
topology: tpu7x:2x2x1
jax: 0.10.2.dev20260603
libtpu: 0.0.44.dev20260713+nightly
codegen_flags: <defaults>
</compile_context>

<pallas_src>
import functools

import jax
import jax.numpy as jnp
from jax import lax
from jax.experimental import pallas as pl
from jax.experimental.pallas import tpu as pltpu
from jax.experimental.pallas import tpu_sc as plsc

HIDDEN = 768
INTER = 1536
E = 64
B = 4
S = 2048
N = B * S
COEF = 0.001

TB = 512
NT = N // TB
BLK = 256
NB = N // BLK + E
P = NB * BLK


def _route_body(x_ref, wr_ref, br_ref, pos_ref, be_ref, used_ref,
                aux_ref, selbuf_ref, counts_ref, psum_ref, cursor_ref):
    p = pl.program_id(0)
    i = pl.program_id(1)

    @pl.when(p == 0)
    def _():
        logits = jnp.dot(x_ref[...], wr_ref[...],
                         preferred_element_type=jnp.float32)
        logits = logits + br_ref[...][None, :]
        m = jnp.max(logits, axis=1, keepdims=True)
        eids = jax.lax.broadcasted_iota(jnp.int32, logits.shape, 1)
        sel = jnp.min(jnp.where(logits == m, eids, E), axis=1)
        selbuf_ref[i] = sel[None, :]
        ex = jnp.exp(logits - m)
        probs = ex / jnp.sum(ex, axis=1, keepdims=True)
        psum_part = jnp.sum(probs, axis=0)
        onehot = (sel[:, None] == eids[:1, :]).astype(jnp.float32)
        cnt_part = jnp.sum(onehot, axis=0)

        @pl.when(i == 0)
        def _():
            counts_ref[...] = cnt_part
            psum_ref[...] = psum_part

        @pl.when(i > 0)
        def _():
            counts_ref[...] = counts_ref[...] + cnt_part
            psum_ref[...] = psum_ref[...] + psum_part

        @pl.when(i == NT - 1)
        def _():
            f = counts_ref[...] / jnp.float32(N)
            pmean = psum_ref[...] / jnp.float32(N)
            aux_ref[0, 0] = (jnp.float32(E) * jnp.sum(f * pmean)
                             * jnp.float32(COEF))

    @pl.when(p == 1)
    def _():
        @pl.when(i == 0)
        def _():
            counts = counts_ref[...]
            padded = jnp.ceil(counts / BLK) * BLK
            used_ref[0] = (jnp.sum(padded) / BLK).astype(jnp.int32)
            r = jax.lax.broadcasted_iota(jnp.int32, (E, E), 0)
            c = jax.lax.broadcasted_iota(jnp.int32, (E, E), 1)
            tril = (c < r).astype(jnp.float32)
            cum = jnp.dot(tril, padded[:, None],
                          preferred_element_type=jnp.float32)[:, 0]
            cursor_ref[...] = cum
            jrow = jax.lax.broadcasted_iota(jnp.int32, (NB, E), 0) * BLK
            be = jnp.sum((cum[None, :] <= jrow).astype(jnp.int32), axis=1) - 1
            be_ref[...] = be

        sel = selbuf_ref[i][0]
        eids = jax.lax.broadcasted_iota(jnp.int32, (TB, E), 1)
        onehot = (sel[:, None] == eids).astype(jnp.float32)
        r = jax.lax.broadcasted_iota(jnp.int32, (TB, TB), 0)
        c = jax.lax.broadcasted_iota(jnp.int32, (TB, TB), 1)
        tril = (c < r).astype(jnp.float32)
        rank = jnp.dot(tril, onehot, preferred_element_type=jnp.float32)
        cur = cursor_ref[...]
        pos = jnp.sum(onehot * (cur[None, :] + rank), axis=1)
        pos_ref[...] = pos.astype(jnp.int32)
        cursor_ref[...] = cur + jnp.sum(onehot, axis=0)


def _route(x2d, Wr, br):
    return pl.pallas_call(
        _route_body,
        grid=(2, NT),
        in_specs=[
            pl.BlockSpec((TB, HIDDEN), lambda p, i: (jnp.where(p == 0, i, 0), 0)),
            pl.BlockSpec((HIDDEN, E), lambda p, i: (0, 0)),
            pl.BlockSpec((E,), lambda p, i: (0,)),
        ],
        out_specs=[
            pl.BlockSpec((TB,), lambda p, i: (jnp.where(p == 0, 0, i),)),
            pl.BlockSpec((NB,), lambda p, i: (0,)),
            pl.BlockSpec((1,), lambda p, i: (0,), memory_space=pltpu.SMEM),
            pl.BlockSpec((1, 1), lambda p, i: (0, 0),
                         memory_space=pltpu.SMEM),
        ],
        out_shape=[
            jax.ShapeDtypeStruct((N,), jnp.int32),
            jax.ShapeDtypeStruct((NB,), jnp.int32),
            jax.ShapeDtypeStruct((1,), jnp.int32),
            jax.ShapeDtypeStruct((1, 1), jnp.float32),
        ],
        scratch_shapes=[
            pltpu.VMEM((NT, 1, TB), jnp.int32),
            pltpu.VMEM((E,), jnp.float32),
            pltpu.VMEM((E,), jnp.float32),
            pltpu.VMEM((E,), jnp.float32),
        ],
    )(x2d, Wr, br)


def _ffn_body(be_ref, used_ref, xs_ref, wup_ref, bup_ref, wdn_ref, bdn_ref,
              ys_ref):
    i = pl.program_id(0)

    @pl.when(i < used_ref[0])
    def _():
        h = jnp.dot(xs_ref[...], wup_ref[0],
                    preferred_element_type=jnp.float32)
        h = h + bup_ref[0]
        a = 0.5 * h * (1.0 + jax.lax.erf(h * jnp.float32(0.7071067811865476)))
        y = jnp.dot(a, wdn_ref[0], preferred_element_type=jnp.float32)
        ys_ref[...] = y + bdn_ref[0]


def _ffn(block_expert, used, xs, W_up, b_up, W_down, b_down):
    grid_spec = pltpu.PrefetchScalarGridSpec(
        num_scalar_prefetch=2,
        grid=(NB,),
        in_specs=[
            pl.BlockSpec((BLK, HIDDEN),
                         lambda i, be, u: (jnp.minimum(i, u[0] - 1), 0)),
            pl.BlockSpec((1, HIDDEN, INTER),
                         lambda i, be, u: (be[jnp.minimum(i, u[0] - 1)], 0, 0)),
            pl.BlockSpec((1, 1, INTER),
                         lambda i, be, u: (be[jnp.minimum(i, u[0] - 1)], 0, 0)),
            pl.BlockSpec((1, INTER, HIDDEN),
                         lambda i, be, u: (be[jnp.minimum(i, u[0] - 1)], 0, 0)),
            pl.BlockSpec((1, 1, HIDDEN),
                         lambda i, be, u: (be[jnp.minimum(i, u[0] - 1)], 0, 0)),
        ],
        out_specs=pl.BlockSpec(
            (BLK, HIDDEN), lambda i, be, u: (jnp.minimum(i, u[0] - 1), 0)),
    )
    return pl.pallas_call(
        _ffn_body,
        grid_spec=grid_spec,
        out_shape=jax.ShapeDtypeStruct((P, HIDDEN), jnp.float32),
    )(block_expert, used, xs, W_up, b_up.reshape(E, 1, INTER),
      W_down, b_down.reshape(E, 1, HIDDEN))



NC = 2
NS = 16
NW = NC * NS
TPW = N // NW
CH = 64
NCH = TPW // CH

_SC_MESH = plsc.VectorSubcoreMesh(
    core_axis_name="c", subcore_axis_name="s", num_cores=NC, num_subcores=NS)

_SC_SCRATCH = (
    [pltpu.VMEM((CH,), jnp.int32) for _ in range(NCH)]
    + [pltpu.VMEM((CH, HIDDEN), jnp.float32) for _ in range(2)]
    + [pltpu.SemaphoreType.DMA((NCH,)), pltpu.SemaphoreType.DMA((2,))]
)


@functools.partial(
    pl.kernel,
    out_type=jax.ShapeDtypeStruct((P, HIDDEN), jnp.float32),
    mesh=_SC_MESH,
    scratch_types=_SC_SCRATCH,
)
def _sc_scatter(pos_hbm, x_hbm, xs_hbm, i0, i1, i2, i3, r0, r1, isem, rsem):
    wid = lax.axis_index("s") * NC + lax.axis_index("c")
    base = wid * TPW
    idx = [i0, i1, i2, i3]
    rows = [r0, r1]
    for j in range(NCH):
        pltpu.make_async_copy(pos_hbm.at[pl.ds(base + j * CH, CH)], idx[j],
                         isem.at[j]).start()
    for s in range(2):
        pltpu.make_async_copy(x_hbm.at[pl.ds(base + s * CH, CH), :], rows[s],
                         rsem.at[s]).start()
    for j in range(NCH):
        s = j % 2
        pltpu.make_async_copy(x_hbm.at[pl.ds(base + j * CH, CH), :], rows[s],
                         rsem.at[s]).wait()
        pltpu.make_async_copy(pos_hbm.at[pl.ds(base + j * CH, CH)], idx[j],
                         isem.at[j]).wait()
        pltpu.sync_copy(rows[s], xs_hbm.at[idx[j]])
        if j + 2 < NCH:
            pltpu.make_async_copy(x_hbm.at[pl.ds(base + (j + 2) * CH, CH), :],
                             rows[s], rsem.at[s]).start()


@functools.partial(
    pl.kernel,
    out_type=jax.ShapeDtypeStruct((N, HIDDEN), jnp.float32),
    mesh=_SC_MESH,
    scratch_types=_SC_SCRATCH,
)
def _sc_gather(pos_hbm, ys_hbm, out_hbm, i0, i1, i2, i3, r0, r1, isem, rsem):
    wid = lax.axis_index("s") * NC + lax.axis_index("c")
    base = wid * TPW
    idx = [i0, i1, i2, i3]
    rows = [r0, r1]
    for j in range(NCH):
        pltpu.make_async_copy(pos_hbm.at[pl.ds(base + j * CH, CH)], idx[j],
                         isem.at[j]).start()
    for s in range(2):
        pltpu.make_async_copy(pos_hbm.at[pl.ds(base + s * CH, CH)], idx[s],
                         isem.at[s]).wait()
        pltpu.make_async_copy(ys_hbm.at[idx[s]], rows[s], rsem.at[s]).start()
    for j in range(NCH):
        s = j % 2
        pltpu.make_async_copy(ys_hbm.at[idx[j]], rows[s], rsem.at[s]).wait()
        pltpu.sync_copy(rows[s], out_hbm.at[pl.ds(base + j * CH, CH), :])
        if j + 2 < NCH:
            pltpu.make_async_copy(pos_hbm.at[pl.ds(base + (j + 2) * CH, CH)],
                             idx[j + 2], isem.at[j + 2]).wait()
            pltpu.make_async_copy(ys_hbm.at[idx[j + 2]], rows[s],
                             rsem.at[s]).start()


def kernel(x, Wr, br, W_up, b_up, W_down, b_down):
    x2d = x.reshape(N, HIDDEN)
    pos, block_expert, used, aux = _route(x2d, Wr, br)
    xs = _sc_scatter(pos, x2d)
    ys = _ffn(block_expert, used, xs, W_up, b_up, W_down, b_down)
    out = _sc_gather(pos, ys)
    return out.reshape(B, S, HIDDEN), aux[0, 0]

# --- scband reference (transcript-rebuilt; emitter-appended) ---
"""Pipeline reference for scband-expert-layer-48619029791273 (READ-ONLY COPY).

The authoritative reference and input builder live on the scoring server;
editing this copy changes nothing except your own understanding.
"""

import jax, jax.numpy as jnp
import numpy as np

HIDDEN = 768
INTER = 1536
E = 64
TOPK = 1
B = 4
S = 2048
COEF = 0.001


def setup_inputs(seed: int = 0) -> dict:
    key = jax.random.key(seed)
    ks = jax.random.split(key, 8)
    x = jax.random.normal(ks[0], (B, S, HIDDEN), dtype=jnp.float32)
    Wr = jax.random.normal(ks[1], (HIDDEN, E), dtype=jnp.float32) * 0.02
    br = jnp.zeros((E,), dtype=jnp.float32)
    W_up = jax.random.normal(ks[2], (E, HIDDEN, INTER), dtype=jnp.float32) * 0.02
    b_up = jnp.zeros((E, INTER), dtype=jnp.float32)
    W_down = jax.random.normal(ks[3], (E, INTER, HIDDEN), dtype=jnp.float32) * 0.02
    b_down = jnp.zeros((E, HIDDEN), dtype=jnp.float32)
    return {"x": x, "Wr": Wr, "br": br, "W_up": W_up, "b_up": b_up, "W_down": W_down, "b_down": b_down}


def reference(x, Wr, br, W_up, b_up, W_down, b_down):
    Bsz, Sl, H = x.shape
    nE = Wr.shape[1]
    # Router: logits, top-k routing weights, switch-style balance loss
    logits = jnp.einsum('bsh,he->bse', x, Wr) + br
    vals, sel = jax.lax.top_k(logits, TOPK)
    rw = jax.nn.softmax(vals, axis=-1)  # (B, S, TOPK)
    probs = jax.nn.softmax(logits, axis=-1)
    onehot = jax.nn.one_hot(jnp.argmax(probs, axis=-1), nE, dtype=jnp.float32)
    f_i = onehot.mean(axis=(0, 1))
    P_i = probs.mean(axis=(0, 1))
    aux = nE * jnp.sum(f_i * P_i) * COEF
    # Dispatch tokens to experts (gather), run expert FFN, combine (scatter-add)
    flat_x = x.reshape(-1, H)
    flat_sel = sel.reshape(-1, TOPK)
    flat_w = rw.reshape(-1, TOPK)
    out = jnp.zeros_like(flat_x)

    def body(e, acc):
        gate = jnp.sum(jnp.where(flat_sel == e, flat_w, 0.0), axis=-1)
        he = jax.nn.gelu(flat_x @ W_up[e] + b_up[e], approximate=False)
        ye = he @ W_down[e] + b_down[e]
        return acc + gate[:, None] * ye

    out = jax.lax.fori_loop(0, nE, body, out)
    return out.reshape(Bsz, Sl, H), aux

if __name__ == "__main__":
    import jax
    _d = setup_inputs()
    print(jax.jit(kernel)(*tuple(_d.values())))

</pallas_src>

<mosaic_0001>
#map = affine_map<(d0, d1) -> (0)>
#map1 = affine_map<(d0, d1) -> (0, 0)>
module attributes {stable_mosaic.version = 14 : i64} {
  func.func @_sc_scatter(%arg0: i32, %arg1: i32, %arg2: memref<8192xi32, #tpu.memory_space<hbm>>, %arg3: memref<8192x768xf32, #tpu.memory_space<hbm>>, %arg4: memref<24576x768xf32, #tpu.memory_space<hbm>>, %arg5: memref<64xi32, #tpu.memory_space<vmem>>, %arg6: memref<64xi32, #tpu.memory_space<vmem>>, %arg7: memref<64xi32, #tpu.memory_space<vmem>>, %arg8: memref<64xi32, #tpu.memory_space<vmem>>, %arg9: memref<64x768xf32, #tpu.memory_space<vmem>>, %arg10: memref<64x768xf32, #tpu.memory_space<vmem>>, %arg11: memref<4x!tpu.dma_semaphore, #tpu.memory_space<semaphore_mem>>, %arg12: memref<2x!tpu.dma_semaphore, #tpu.memory_space<semaphore_mem>>) attributes {dimension_semantics = [#tpu.dimension_semantics<core_parallel>, #tpu.dimension_semantics<subcore_parallel>], iteration_bounds = array<i64: 2, 16>, scalar_prefetch = 0 : i64, scratch_operands = 8 : i64, tpu.core_type = #tpu.core_type<sc_vector_subcore>, window_params = [{transform_indices = #map}, {transform_indices = #map1}, {transform_indices = #map1}]} {
    %mul3A = arith.constant 2 : i32
    %mul3A_0 = arith.muli %arg1, %mul3A : i32
    %add3A = arith.addi %mul3A_0, %arg0 : i32
    %mul3A_1 = arith.constant 256 : i32
    %mul3A_2 = arith.muli %add3A, %mul3A_1 : i32
    %add3A_3 = arith.constant 0 : i32
    %add3A_4 = arith.addi %mul3A_2, %add3A_3 : i32
    %dma_start3A = arith.constant 0 : i32
    %dma_start3A_5 = tpu.memref_slice %arg2[%add3A_4] : memref<8192xi32, #tpu.memory_space<hbm>> -> memref<64xi32, #tpu.memory_space<hbm>>
    %dma_start3A_6 = tpu.memref_slice %arg11[%dma_start3A] : memref<4x!tpu.dma_semaphore, #tpu.memory_space<semaphore_mem>> -> memref<1x!tpu.dma_semaphore, #tpu.memory_space<semaphore_mem>>
    %dma_start3A_7 = tpu.memref_squeeze %dma_start3A_6 : memref<1x!tpu.dma_semaphore, #tpu.memory_space<semaphore_mem>> -> memref<!tpu.dma_semaphore, #tpu.memory_space<semaphore_mem>>
    %dma_start3A_8 = tpu.memref_slice %arg2[%add3A_4] : memref<8192xi32, #tpu.memory_space<hbm>> -> memref<64xi32, #tpu.memory_space<hbm>>
    tpu.enqueue_dma source(%dma_start3A_8 : memref<64xi32, #tpu.memory_space<hbm>>) target(%arg5 : memref<64xi32, #tpu.memory_space<vmem>>) target_semaphore(%dma_start3A_7 : memref<!tpu.dma_semaphore, #tpu.memory_space<semaphore_mem>>)
    %add3A_9 = arith.constant 64 : i32
    %add3A_10 = arith.addi %mul3A_2, %add3A_9 : i32
    %dma_start3A_11 = arith.constant 1 : i32
    %dma_start3A_12 = tpu.memref_slice %arg2[%add3A_10] : memref<8192xi32, #tpu.memory_space<hbm>> -> memref<64xi32, #tpu.memory_space<hbm>>
    %dma_start3A_13 = tpu.memref_slice %arg11[%dma_start3A_11] : memref<4x!tpu.dma_semaphore, #tpu.memory_space<semaphore_mem>> -> memref<1x!tpu.dma_semaphore, #tpu.memory_space<semaphore_mem>>
    %dma_start3A_14 = tpu.memref_squeeze %dma_start3A_13 : memref<1x!tpu.dma_semaphore, #tpu.memory_space<semaphore_mem>> -> memref<!tpu.dma_semaphore, #tpu.memory_space<semaphore_mem>>
    %dma_start3A_15 = tpu.memref_slice %arg2[%add3A_10] : memref<8192xi32, #tpu.memory_space<hbm>> -> memref<64xi32, #tpu.memory_space<hbm>>
    tpu.enqueue_dma source(%dma_start3A_15 : memref<64xi32, #tpu.memory_space<hbm>>) target(%arg6 : memref<64xi32, #tpu.memory_space<vmem>>) target_semaphore(%dma_start3A_14 : memref<!tpu.dma_semaphore, #tpu.memory_space<semaphore_mem>>)
    %add3A_16 = arith.constant 128 : i32
    %add3A_17 = arith.addi %mul3A_2, %add3A_16 : i32
    %dma_start3A_18 = arith.constant 2 : i32
    %dma_start3A_19 = tpu.memref_slice %arg2[%add3A_17] : memref<8192xi32, #tpu.memory_space<hbm>> -> memref<64xi32, #tpu.memory_space<hbm>>
    %dma_start3A_20 = tpu.memref_slice %arg11[%dma_start3A_18] : memref<4x!tpu.dma_semaphore, #tpu.memory_space<semaphore_mem>> -> memref<1x!tpu.dma_semaphore, #tpu.memory_space<semaphore_mem>>
    %dma_start3A_21 = tpu.memref_squeeze %dma_start3A_20 : memref<1x!tpu.dma_semaphore, #tpu.memory_space<semaphore_mem>> -> memref<!tpu.dma_semaphore, #tpu.memory_space<semaphore_mem>>
    %dma_start3A_22 = tpu.memref_slice %arg2[%add3A_17] : memref<8192xi32, #tpu.memory_space<hbm>> -> memref<64xi32, #tpu.memory_space<hbm>>
    tpu.enqueue_dma source(%dma_start3A_22 : memref<64xi32, #tpu.memory_space<hbm>>) target(%arg7 : memref<64xi32, #tpu.memory_space<vmem>>) target_semaphore(%dma_start3A_21 : memref<!tpu.dma_semaphore, #tpu.memory_space<semaphore_mem>>)
    %add3A_23 = arith.constant 192 : i32
    %add3A_24 = arith.addi %mul3A_2, %add3A_23 : i32
    %dma_start3A_25 = arith.constant 3 : i32
    %dma_start3A_26 = tpu.memref_slice %arg2[%add3A_24] : memref<8192xi32, #tpu.memory_space<hbm>> -> memref<64xi32, #tpu.memory_space<hbm>>
    %dma_start3A_27 = tpu.memref_slice %arg11[%dma_start3A_25] : memref<4x!tpu.dma_semaphore, #tpu.memory_space<semaphore_mem>> -> memref<1x!tpu.dma_semaphore, #tpu.memory_space<semaphore_mem>>
    %dma_start3A_28 = tpu.memref_squeeze %dma_start3A_27 : memref<1x!tpu.dma_semaphore, #tpu.memory_space<semaphore_mem>> -> memref<!tpu.dma_semaphore, #tpu.memory_space<semaphore_mem>>
    %dma_start3A_29 = tpu.memref_slice %arg2[%add3A_24] : memref<8192xi32, #tpu.memory_space<hbm>> -> memref<64xi32, #tpu.memory_space<hbm>>
    tpu.enqueue_dma source(%dma_start3A_29 : memref<64xi32, #tpu.memory_space<hbm>>) target(%arg8 : memref<64xi32, #tpu.memory_space<vmem>>) target_semaphore(%dma_start3A_28 : memref<!tpu.dma_semaphore, #tpu.memory_space<semaphore_mem>>)
    %add3A_30 = arith.constant 0 : i32
    %add3A_31 = arith.addi %mul3A_2, %add3A_30 : i32
    %dma_start3A_32 = arith.constant 0 : i32
    %dma_start3A_33 = arith.constant 0 : i32
    %dma_start3A_34 = tpu.memref_slice %arg3[%add3A_31, %dma_start3A_33] : memref<8192x768xf32, #tpu.memory_space<hbm>> -> memref<64x768xf32, #tpu.memory_space<hbm>>
    %dma_start3A_35 = tpu.memref_slice %arg12[%dma_start3A_32] : memref<2x!tpu.dma_semaphore, #tpu.memory_space<semaphore_mem>> -> memref<1x!tpu.dma_semaphore, #tpu.memory_space<semaphore_mem>>
    %dma_start3A_36 = tpu.memref_squeeze %dma_start3A_35 : memref<1x!tpu.dma_semaphore, #tpu.memory_space<semaphore_mem>> -> memref<!tpu.dma_semaphore, #tpu.memory_space<semaphore_mem>>
    %dma_start3A_37 = arith.constant 0 : i32
    %dma_start3A_38 = tpu.memref_slice %arg3[%add3A_31, %dma_start3A_37] : memref<8192x768xf32, #tpu.memory_space<hbm>> -> memref<64x768xf32, #tpu.memory_space<hbm>>
    tpu.enqueue_dma source(%dma_start3A_38 : memref<64x768xf32, #tpu.memory_space<hbm>>) target(%arg9 : memref<64x768xf32, #tpu.memory_space<vmem>>) target_semaphore(%dma_start3A_36 : memref<!tpu.dma_semaphore, #tpu.memory_space<semaphore_mem>>)
    %add3A_39 = arith.constant 64 : i32
    %add3A_40 = arith.addi %mul3A_2, %add3A_39 : i32
    %dma_start3A_41 = arith.constant 1 : i32
    %dma_start3A_42 = arith.constant 0 : i32
    %dma_start3A_43 = tpu.memref_slice %arg3[%add3A_40, %dma_start3A_42] : memref<8192x768xf32, #tpu.memory_space<hbm>> -> memref<64x768xf32, #tpu.memory_space<hbm>>
    %dma_start3A_44 = tpu.memref_slice %arg12[%dma_start3A_41] : memref<2x!tpu.dma_semaphore, #tpu.memory_space<semaphore_mem>> -> memref<1x!tpu.dma_semaphore, #tpu.memory_space<semaphore_mem>>
    %dma_start3A_45 = tpu.memref_squeeze %dma_start3A_44 : memref<1x!tpu.dma_semaphore, #tpu.memory_space<semaphore_mem>> -> memref<!tpu.dma_semaphore, #tpu.memory_space<semaphore_mem>>
    %dma_start3A_46 = arith.constant 0 : i32
    %dma_start3A_47 = tpu.memref_slice %arg3[%add3A_40, %dma_start3A_46] : memref<8192x768xf32, #tpu.memory_space<hbm>> -> memref<64x768xf32, #tpu.memory_space<hbm>>
    tpu.enqueue_dma source(%dma_start3A_47 : memref<64x768xf32, #tpu.memory_space<hbm>>) target(%arg10 : memref<64x768xf32, #tpu.memory_space<vmem>>) target_semaphore(%dma_start3A_45 : memref<!tpu.dma_semaphore, #tpu.memory_space<semaphore_mem>>)
    %add3A_48 = arith.constant 0 : i32
    %add3A_49 = arith.addi %mul3A_2, %add3A_48 : i32
    %dma_wait3A = arith.constant 0 : i32
    %dma_wait3A_50 = arith.constant 0 : i32
    %dma_wait3A_51 = tpu.memref_slice %arg3[%add3A_49, %dma_wait3A_50] : memref<8192x768xf32, #tpu.memory_space<hbm>> -> memref<64x768xf32, #tpu.memory_space<hbm>>
    %dma_wait3A_52 = tpu.memref_slice %arg12[%dma_wait3A] : memref<2x!tpu.dma_semaphore, #tpu.memory_space<semaphore_mem>> -> memref<1x!tpu.dma_semaphore, #tpu.memory_space<semaphore_mem>>
    %dma_wait3A_53 = tpu.memref_squeeze %dma_wait3A_52 : memref<1x!tpu.dma_semaphore, #tpu.memory_space<semaphore_mem>> -> memref<!tpu.dma_semaphore, #tpu.memory_space<semaphore_mem>>
    %dma_wait3A_54 = arith.constant 0 : i32
    %dma_wait3A_55 = tpu.memref_slice %arg3[%add3A_49, %dma_wait3A_54] : memref<8192x768xf32, #tpu.memory_space<hbm>> -> memref<64x768xf32, #tpu.memory_space<hbm>>
    tpu.wait_dma2 semaphore(%dma_wait3A_53 : memref<!tpu.dma_semaphore, #tpu.memory_space<semaphore_mem>>) src(%dma_wait3A_55 : memref<64x768xf32, #tpu.memory_space<hbm>>) dst(%arg9 : memref<64x768xf32, #tpu.memory_space<vmem>>)
    %add3A_56 = arith.constant 0 : i32
    %add3A_57 = arith.addi %mul3A_2, %add3A_56 : i32
    %dma_wait3A_58 = arith.constant 0 : i32
    %dma_wait3A_59 = tpu.memref_slice %arg2[%add3A_57] : memref<8192xi32, #tpu.memory_space<hbm>> -> memref<64xi32, #tpu.memory_space<hbm>>
    %dma_wait3A_60 = tpu.memref_slice %arg11[%dma_wait3A_58] : memref<4x!tpu.dma_semaphore, #tpu.memory_space<semaphore_mem>> -> memref<1x!tpu.dma_semaphore, #tpu.memory_space<semaphore_mem>>
    %dma_wait3A_61 = tpu.memref_squeeze %dma_wait3A_60 : memref<1x!tpu.dma_semaphore, #tpu.memory_space<semaphore_mem>> -> memref<!tpu.dma_semaphore, #tpu.memory_space<semaphore_mem>>
    %dma_wait3A_62 = tpu.memref_slice %arg2[%add3A_57] : memref<8192xi32, #tpu.memory_space<hbm>> -> memref<64xi32, #tpu.memory_space<hbm>>
    tpu.wait_dma2 semaphore(%dma_wait3A_61 : memref<!tpu.dma_semaphore, #tpu.memory_space<semaphore_mem>>) src(%dma_wait3A_62 : memref<64xi32, #tpu.memory_space<hbm>>) dst(%arg5 : memref<64xi32, #tpu.memory_space<vmem>>)
    "tpu.region"() ({
      %run_scoped3A = tpu.sem_alloc : memref<!tpu.dma_semaphore, #tpu.memory_space<semaphore_mem>>
      %dma_start3A_129 = arith.constant 0 : i32
      %dma_start3A_130 = arith.constant 0 : i32
      %dma_start3A_131 = tpu.memref_slice %arg4[%dma_start3A_129, %dma_start3A_130] : memref<24576x768xf32, #tpu.memory_space<hbm>> -> memref<24576x768xf32, #tpu.memory_space<hbm>>
      tpu.enqueue_indirect_dma source(%arg9 : memref<64x768xf32, #tpu.memory_space<vmem>>) target(%dma_start3A_131 : memref<24576x768xf32, #tpu.memory_space<hbm>>) offsets(%arg5 : memref<64xi32, #tpu.memory_space<vmem>>) semaphore(%run_scoped3A : memref<!tpu.dma_semaphore, #tpu.memory_space<semaphore_mem>>)
      %dma_wait3A_132 = arith.constant 0 : i32
      %dma_wait3A_133 = arith.constant 0 : i32
      %dma_wait3A_134 = tpu.memref_slice %arg4[%dma_wait3A_132, %dma_wait3A_133] : memref<24576x768xf32, #tpu.memory_space<hbm>> -> memref<24576x768xf32, #tpu.memory_space<hbm>>
      tpu.wait_indirect_dma semaphore(%run_scoped3A : memref<!tpu.dma_semaphore, #tpu.memory_space<semaphore_mem>>) src(%arg9 : memref<64x768xf32, #tpu.memory_space<vmem>>) dst(%dma_wait3A_134 : memref<24576x768xf32, #tpu.memory_space<hbm>>)
      tpu.yield
    }) : () -> ()
    %add3A_63 = arith.constant 128 : i32
    %add3A_64 = arith.addi %mul3A_2, %add3A_63 : i32
    %dma_start3A_65 = arith.constant 0 : i32
    %dma_start3A_66 = arith.constant 0 : i32
    %dma_start3A_67 = tpu.memref_slice %arg3[%add3A_64, %dma_start3A_66] : memref<8192x768xf32, #tpu.memory_space<hbm>> -> memref<64x768xf32, #tpu.memory_space<hbm>>
    %dma_start3A_68 = tpu.memref_slice %arg12[%dma_start3A_65] : memref<2x!tpu.dma_semaphore, #tpu.memory_space<semaphore_mem>> -> memref<1x!tpu.dma_semaphore, #tpu.memory_space<semaphore_mem>>
    %dma_start3A_69 = tpu.memref_squeeze %dma_start3A_68 : memref<1x!tpu.dma_semaphore, #tpu.memory_space<semaphore_mem>> -> memref<!tpu.dma_semaphore, #tpu.memory_space<semaphore_mem>>
    %dma_start3A_70 = arith.constant 0 : i32
    %dma_start3A_71 = tpu.memref_slice %arg3[%add3A_64, %dma_start3A_70] : memref<8192x768xf32, #tpu.memory_space<hbm>> -> memref<64x768xf32, #tpu.memory_space<hbm>>
    tpu.enqueue_dma source(%dma_start3A_71 : memref<64x768xf32, #tpu.memory_space<hbm>>) target(%arg9 : memref<64x768xf32, #tpu.memory_space<vmem>>) target_semaphore(%dma_start3A_69 : memref<!tpu.dma_semaphore, #tpu.memory_space<semaphore_mem>>)
    %add3A_72 = arith.constant 64 : i32
    %add3A_73 = arith.addi %mul3A_2, %add3A_72 : i32
    %dma_wait3A_74 = arith.constant 1 : i32
    %dma_wait3A_75 = arith.constant 0 : i32
    %dma_wait3A_76 = tpu.memref_slice %arg3[%add3A_73, %dma_wait3A_75] : memref<8192x768xf32, #tpu.memory_space<hbm>> -> memref<64x768xf32, #tpu.memory_space<hbm>>
    %dma_wait3A_77 = tpu.memref_slice %arg12[%dma_wait3A_74] : memref<2x!tpu.dma_semaphore, #tpu.memory_space<semaphore_mem>> -> memref<1x!tpu.dma_semaphore, #tpu.memory_space<semaphore_mem>>
    %dma_wait3A_78 = tpu.memref_squeeze %dma_wait3A_77 : memref<1x!tpu.dma_semaphore, #tpu.memory_space<semaphore_mem>> -> memref<!tpu.dma_semaphore, #tpu.memory_space<semaphore_mem>>
    %dma_wait3A_79 = arith.constant 0 : i32
    %dma_wait3A_80 = tpu.memref_slice %arg3[%add3A_73, %dma_wait3A_79] : memref<8192x768xf32, #tpu.memory_space<hbm>> -> memref<64x768xf32, #tpu.memory_space<hbm>>
    tpu.wait_dma2 semaphore(%dma_wait3A_78 : memref<!tpu.dma_semaphore, #tpu.memory_space<semaphore_mem>>) src(%dma_wait3A_80 : memref<64x768xf32, #tpu.memory_space<hbm>>) dst(%arg10 : memref<64x768xf32, #tpu.memory_space<vmem>>)
    %add3A_81 = arith.constant 64 : i32
    %add3A_82 = arith.addi %mul3A_2, %add3A_81 : i32
    %dma_wait3A_83 = arith.constant 1 : i32
    %dma_wait3A_84 = tpu.memref_slice %arg2[%add3A_82] : memref<8192xi32, #tpu.memory_space<hbm>> -> memref<64xi32, #tpu.memory_space<hbm>>
    %dma_wait3A_85 = tpu.memref_slice %arg11[%dma_wait3A_83] : memref<4x!tpu.dma_semaphore, #tpu.memory_space<semaphore_mem>> -> memref<1x!tpu.dma_semaphore, #tpu.memory_space<semaphore_mem>>
    %dma_wait3A_86 = tpu.memref_squeeze %dma_wait3A_85 : memref<1x!tpu.dma_semaphore, #tpu.memory_space<semaphore_mem>> -> memref<!tpu.dma_semaphore, #tpu.memory_space<semaphore_mem>>
    %dma_wait3A_87 = tpu.memref_slice %arg2[%add3A_82] : memref<8192xi32, #tpu.memory_space<hbm>> -> memref<64xi32, #tpu.memory_space<hbm>>
    tpu.wait_dma2 semaphore(%dma_wait3A_86 : memref<!tpu.dma_semaphore, #tpu.memory_space<semaphore_mem>>) src(%dma_wait3A_87 : memref<64xi32, #tpu.memory_space<hbm>>) dst(%arg6 : memref<64xi32, #tpu.memory_space<vmem>>)
    "tpu.region"() ({
      %run_scoped3A = tpu.sem_alloc : memref<!tpu.dma_semaphore, #tpu.memory_space<semaphore_mem>>
      %dma_start3A_129 = arith.constant 0 : i32
      %dma_start3A_130 = arith.constant 0 : i32
      %dma_start3A_131 = tpu.memref_slice %arg4[%dma_start3A_129, %dma_start3A_130] : memref<24576x768xf32, #tpu.memory_space<hbm>> -> memref<24576x768xf32, #tpu.memory_space<hbm>>
      tpu.enqueue_indirect_dma source(%arg10 : memref<64x768xf32, #tpu.memory_space<vmem>>) target(%dma_start3A_131 : memref<24576x768xf32, #tpu.memory_space<hbm>>) offsets(%arg6 : memref<64xi32, #tpu.memory_space<vmem>>) semaphore(%run_scoped3A : memref<!tpu.dma_semaphore, #tpu.memory_space<semaphore_mem>>)
      %dma_wait3A_132 = arith.constant 0 : i32
      %dma_wait3A_133 = arith.constant 0 : i32
      %dma_wait3A_134 = tpu.memref_slice %arg4[%dma_wait3A_132, %dma_wait3A_133] : memref<24576x768xf32, #tpu.memory_space<hbm>> -> memref<24576x768xf32, #tpu.memory_space<hbm>>
      tpu.wait_indirect_dma semaphore(%run_scoped3A : memref<!tpu.dma_semaphore, #tpu.memory_space<semaphore_mem>>) src(%arg10 : memref<64x768xf32, #tpu.memory_space<vmem>>) dst(%dma_wait3A_134 : memref<24576x768xf32, #tpu.memory_space<hbm>>)
      tpu.yield
    }) : () -> ()
    %add3A_88 = arith.constant 192 : i32
    %add3A_89 = arith.addi %mul3A_2, %add3A_88 : i32
    %dma_start3A_90 = arith.constant 1 : i32
    %dma_start3A_91 = arith.constant 0 : i32
    %dma_start3A_92 = tpu.memref_slice %arg3[%add3A_89, %dma_start3A_91] : memref<8192x768xf32, #tpu.memory_space<hbm>> -> memref<64x768xf32, #tpu.memory_space<hbm>>
    %dma_start3A_93 = tpu.memref_slice %arg12[%dma_start3A_90] : memref<2x!tpu.dma_semaphore, #tpu.memory_space<semaphore_mem>> -> memref<1x!tpu.dma_semaphore, #tpu.memory_space<semaphore_mem>>
    %dma_start3A_94 = tpu.memref_squeeze %dma_start3A_93 : memref<1x!tpu.dma_semaphore, #tpu.memory_space<semaphore_mem>> -> memref<!tpu.dma_semaphore, #tpu.memory_space<semaphore_mem>>
    %dma_start3A_95 = arith.constant 0 : i32
    %dma_start3A_96 = tpu.memref_slice %arg3[%add3A_89, %dma_start3A_95] : memref<8192x768xf32, #tpu.memory_space<hbm>> -> memref<64x768xf32, #tpu.memory_space<hbm>>
    tpu.enqueue_dma source(%dma_start3A_96 : memref<64x768xf32, #tpu.memory_space<hbm>>) target(%arg10 : memref<64x768xf32, #tpu.memory_space<vmem>>) target_semaphore(%dma_start3A_94 : memref<!tpu.dma_semaphore, #tpu.memory_space<semaphore_mem>>)
    %add3A_97 = arith.constant 128 : i32
    %add3A_98 = arith.addi %mul3A_2, %add3A_97 : i32
    %dma_wait3A_99 = arith.constant 0 : i32
    %dma_wait3A_100 = arith.constant 0 : i32
    %dma_wait3A_101 = tpu.memref_slice %arg3[%add3A_98, %dma_wait3A_100] : memref<8192x768xf32, #tpu.memory_space<hbm>> -> memref<64x768xf32, #tpu.memory_space<hbm>>
    %dma_wait3A_102 = tpu.memref_slice %arg12[%dma_wait3A_99] : memref<2x!tpu.dma_semaphore, #tpu.memory_space<semaphore_mem>> -> memref<1x!tpu.dma_semaphore, #tpu.memory_space<semaphore_mem>>
    %dma_wait3A_103 = tpu.memref_squeeze %dma_wait3A_102 : memref<1x!tpu.dma_semaphore, #tpu.memory_space<semaphore_mem>> -> memref<!tpu.dma_semaphore, #tpu.memory_space<semaphore_mem>>
    %dma_wait3A_104 = arith.constant 0 : i32
    %dma_wait3A_105 = tpu.memref_slice %arg3[%add3A_98, %dma_wait3A_104] : memref<8192x768xf32, #tpu.memory_space<hbm>> -> memref<64x768xf32, #tpu.memory_space<hbm>>
    tpu.wait_dma2 semaphore(%dma_wait3A_103 : memref<!tpu.dma_semaphore, #tpu.memory_space<semaphore_mem>>) src(%dma_wait3A_105 : memref<64x768xf32, #tpu.memory_space<hbm>>) dst(%arg9 : memref<64x768xf32, #tpu.memory_space<vmem>>)
    %add3A_106 = arith.constant 128 : i32
    %add3A_107 = arith.addi %mul3A_2, %add3A_106 : i32
    %dma_wait3A_108 = arith.constant 2 : i32
    %dma_wait3A_109 = tpu.memref_slice %arg2[%add3A_107] : memref<8192xi32, #tpu.memory_space<hbm>> -> memref<64xi32, #tpu.memory_space<hbm>>
    %dma_wait3A_110 = tpu.memref_slice %arg11[%dma_wait3A_108] : memref<4x!tpu.dma_semaphore, #tpu.memory_space<semaphore_mem>> -> memref<1x!tpu.dma_semaphore, #tpu.memory_space<semaphore_mem>>
    %dma_wait3A_111 = tpu.memref_squeeze %dma_wait3A_110 : memref<1x!tpu.dma_semaphore, #tpu.memory_space<semaphore_mem>> -> memref<!tpu.dma_semaphore, #tpu.memory_space<semaphore_mem>>
    %dma_wait3A_112 = tpu.memref_slice %arg2[%add3A_107] : memref<8192xi32, #tpu.memory_space<hbm>> -> memref<64xi32, #tpu.memory_space<hbm>>
    tpu.wait_dma2 semaphore(%dma_wait3A_111 : memref<!tpu.dma_semaphore, #tpu.memory_space<semaphore_mem>>) src(%dma_wait3A_112 : memref<64xi32, #tpu.memory_space<hbm>>) dst(%arg7 : memref<64xi32, #tpu.memory_space<vmem>>)
    "tpu.region"() ({
      %run_scoped3A = tpu.sem_alloc : memref<!tpu.dma_semaphore, #tpu.memory_space<semaphore_mem>>
      %dma_start3A_129 = arith.constant 0 : i32
      %dma_start3A_130 = arith.constant 0 : i32
      %dma_start3A_131 = tpu.memref_slice %arg4[%dma_start3A_129, %dma_start3A_130] : memref<24576x768xf32, #tpu.memory_space<hbm>> -> memref<24576x768xf32, #tpu.memory_space<hbm>>
      tpu.enqueue_indirect_dma source(%arg9 : memref<64x768xf32, #tpu.memory_space<vmem>>) target(%dma_start3A_131 : memref<24576x768xf32, #tpu.memory_space<hbm>>) offsets(%arg7 : memref<64xi32, #tpu.memory_space<vmem>>) semaphore(%run_scoped3A : memref<!tpu.dma_semaphore, #tpu.memory_space<semaphore_mem>>)
      %dma_wait3A_132 = arith.constant 0 : i32
      %dma_wait3A_133 = arith.constant 0 : i32
      %dma_wait3A_134 = tpu.memref_slice %arg4[%dma_wait3A_132, %dma_wait3A_133] : memref<24576x768xf32, #tpu.memory_space<hbm>> -> memref<24576x768xf32, #tpu.memory_space<hbm>>
      tpu.wait_indirect_dma semaphore(%run_scoped3A : memref<!tpu.dma_semaphore, #tpu.memory_space<semaphore_mem>>) src(%arg9 : memref<64x768xf32, #tpu.memory_space<vmem>>) dst(%dma_wait3A_134 : memref<24576x768xf32, #tpu.memory_space<hbm>>)
      tpu.yield
    }) : () -> ()
    %add3A_113 = arith.constant 192 : i32
    %add3A_114 = arith.addi %mul3A_2, %add3A_113 : i32
    %dma_wait3A_115 = arith.constant 1 : i32
    %dma_wait3A_116 = arith.constant 0 : i32
    %dma_wait3A_117 = tpu.memref_slice %arg3[%add3A_114, %dma_wait3A_116] : memref<8192x768xf32, #tpu.memory_space<hbm>> -> memref<64x768xf32, #tpu.memory_space<hbm>>
    %dma_wait3A_118 = tpu.memref_slice %arg12[%dma_wait3A_115] : memref<2x!tpu.dma_semaphore, #tpu.memory_space<semaphore_mem>> -> memref<1x!tpu.dma_semaphore, #tpu.memory_space<semaphore_mem>>
    %dma_wait3A_119 = tpu.memref_squeeze %dma_wait3A_118 : memref<1x!tpu.dma_semaphore, #tpu.memory_space<semaphore_mem>> -> memref<!tpu.dma_semaphore, #tpu.memory_space<semaphore_mem>>
    %dma_wait3A_120 = arith.constant 0 : i32
    %dma_wait3A_121 = tpu.memref_slice %arg3[%add3A_114, %dma_wait3A_120] : memref<8192x768xf32, #tpu.memory_space<hbm>> -> memref<64x768xf32, #tpu.memory_space<hbm>>
    tpu.wait_dma2 semaphore(%dma_wait3A_119 : memref<!tpu.dma_semaphore, #tpu.memory_space<semaphore_mem>>) src(%dma_wait3A_121 : memref<64x768xf32, #tpu.memory_space<hbm>>) dst(%arg10 : memref<64x768xf32, #tpu.memory_space<vmem>>)
    %add3A_122 = arith.constant 192 : i32
    %add3A_123 = arith.addi %mul3A_2, %add3A_122 : i32
    %dma_wait3A_124 = arith.constant 3 : i32
    %dma_wait3A_125 = tpu.memref_slice %arg2[%add3A_123] : memref<8192xi32, #tpu.memory_space<hbm>> -> memref<64xi32, #tpu.memory_space<hbm>>
    %dma_wait3A_126 = tpu.memref_slice %arg11[%dma_wait3A_124] : memref<4x!tpu.dma_semaphore, #tpu.memory_space<semaphore_mem>> -> memref<1x!tpu.dma_semaphore, #tpu.memory_space<semaphore_mem>>
    %dma_wait3A_127 = tpu.memref_squeeze %dma_wait3A_126 : memref<1x!tpu.dma_semaphore, #tpu.memory_space<semaphore_mem>> -> memref<!tpu.dma_semaphore, #tpu.memory_space<semaphore_mem>>
    %dma_wait3A_128 = tpu.memref_slice %arg2[%add3A_123] : memref<8192xi32, #tpu.memory_space<hbm>> -> memref<64xi32, #tpu.memory_space<hbm>>
    tpu.wait_dma2 semaphore(%dma_wait3A_127 : memref<!tpu.dma_semaphore, #tpu.memory_space<semaphore_mem>>) src(%dma_wait3A_128 : memref<64xi32, #tpu.memory_space<hbm>>) dst(%arg8 : memref<64xi32, #tpu.memory_space<vmem>>)
    "tpu.region"() ({
      %run_scoped3A = tpu.sem_alloc : memref<!tpu.dma_semaphore, #tpu.memory_space<semaphore_mem>>
      %dma_start3A_129 = arith.constant 0 : i32
      %dma_start3A_130 = arith.constant 0 : i32
      %dma_start3A_131 = tpu.memref_slice %arg4[%dma_start3A_129, %dma_start3A_130] : memref<24576x768xf32, #tpu.memory_space<hbm>> -> memref<24576x768xf32, #tpu.memory_space<hbm>>
      tpu.enqueue_indirect_dma source(%arg10 : memref<64x768xf32, #tpu.memory_space<vmem>>) target(%dma_start3A_131 : memref<24576x768xf32, #tpu.memory_space<hbm>>) offsets(%arg8 : memref<64xi32, #tpu.memory_space<vmem>>) semaphore(%run_scoped3A : memref<!tpu.dma_semaphore, #tpu.memory_space<semaphore_mem>>)
      %dma_wait3A_132 = arith.constant 0 : i32
      %dma_wait3A_133 = arith.constant 0 : i32
      %dma_wait3A_134 = tpu.memref_slice %arg4[%dma_wait3A_132, %dma_wait3A_133] : memref<24576x768xf32, #tpu.memory_space<hbm>> -> memref<24576x768xf32, #tpu.memory_space<hbm>>
      tpu.wait_indirect_dma semaphore(%run_scoped3A : memref<!tpu.dma_semaphore, #tpu.memory_space<semaphore_mem>>) src(%arg10 : memref<64x768xf32, #tpu.memory_space<vmem>>) dst(%dma_wait3A_134 : memref<24576x768xf32, #tpu.memory_space<hbm>>)
      tpu.yield
    }) : () -> ()
    return
  }
}

#map = affine_map<(d0, d1) -> (0)>
#map1 = affine_map<(d0, d1) -> (0, 0)>
module attributes {stable_mosaic.version = 14 : i64} {
  func.func @_sc_gather(%arg0: i32, %arg1: i32, %arg2: memref<8192xi32, #tpu.memory_space<hbm>>, %arg3: memref<24576x768xf32, #tpu.memory_space<hbm>>, %arg4: memref<8192x768xf32, #tpu.memory_space<hbm>>, %arg5: memref<64xi32, #tpu.memory_space<vmem>>, %arg6: memref<64xi32, #tpu.memory_space<vmem>>, %arg7: memref<64xi32, #tpu.memory_space<vmem>>, %arg8: memref<64xi32, #tpu.memory_space<vmem>>, %arg9: memref<64x768xf32, #tpu.memory_space<vmem>>, %arg10: memref<64x768xf32, #tpu.memory_space<vmem>>, %arg11: memref<4x!tpu.dma_semaphore, #tpu.memory_space<semaphore_mem>>, %arg12: memref<2x!tpu.dma_semaphore, #tpu.memory_space<semaphore_mem>>) attributes {dimension_semantics = [#tpu.dimension_semantics<core_parallel>, #tpu.dimension_semantics<subcore_parallel>], iteration_bounds = array<i64: 2, 16>, scalar_prefetch = 0 : i64, scratch_operands = 8 : i64, tpu.core_type = #tpu.core_type<sc_vector_subcore>, window_params = [{transform_indices = #map}, {transform_indices = #map1}, {transform_indices = #map1}]} {
    %mul3A = arith.constant 2 : i32
    %mul3A_0 = arith.muli %arg1, %mul3A : i32
    %add3A = arith.addi %mul3A_0, %arg0 : i32
    %mul3A_1 = arith.constant 256 : i32
    %mul3A_2 = arith.muli %add3A, %mul3A_1 : i32
    %add3A_3 = arith.constant 0 : i32
    %add3A_4 = arith.addi %mul3A_2, %add3A_3 : i32
    %dma_start3A = arith.constant 0 : i32
    %dma_start3A_5 = tpu.memref_slice %arg2[%add3A_4] : memref<8192xi32, #tpu.memory_space<hbm>> -> memref<64xi32, #tpu.memory_space<hbm>>
    %dma_start3A_6 = tpu.memref_slice %arg11[%dma_start3A] : memref<4x!tpu.dma_semaphore, #tpu.memory_space<semaphore_mem>> -> memref<1x!tpu.dma_semaphore, #tpu.memory_space<semaphore_mem>>
    %dma_start3A_7 = tpu.memref_squeeze %dma_start3A_6 : memref<1x!tpu.dma_semaphore, #tpu.memory_space<semaphore_mem>> -> memref<!tpu.dma_semaphore, #tpu.memory_space<semaphore_mem>>
    %dma_start3A_8 = tpu.memref_slice %arg2[%add3A_4] : memref<8192xi32, #tpu.memory_space<hbm>> -> memref<64xi32, #tpu.memory_space<hbm>>
    tpu.enqueue_dma source(%dma_start3A_8 : memref<64xi32, #tpu.memory_space<hbm>>) target(%arg5 : memref<64xi32, #tpu.memory_space<vmem>>) target_semaphore(%dma_start3A_7 : memref<!tpu.dma_semaphore, #tpu.memory_space<semaphore_mem>>)
    %add3A_9 = arith.constant 64 : i32
    %add3A_10 = arith.addi %mul3A_2, %add3A_9 : i32
    %dma_start3A_11 = arith.constant 1 : i32
    %dma_start3A_12 = tpu.memref_slice %arg2[%add3A_10] : memref<8192xi32, #tpu.memory_space<hbm>> -> memref<64xi32, #tpu.memory_space<hbm>>
    %dma_start3A_13 = tpu.memref_slice %arg11[%dma_start3A_11] : memref<4x!tpu.dma_semaphore, #tpu.memory_space<semaphore_mem>> -> memref<1x!tpu.dma_semaphore, #tpu.memory_space<semaphore_mem>>
    %dma_start3A_14 = tpu.memref_squeeze %dma_start3A_13 : memref<1x!tpu.dma_semaphore, #tpu.memory_space<semaphore_mem>> -> memref<!tpu.dma_semaphore, #tpu.memory_space<semaphore_mem>>
    %dma_start3A_15 = tpu.memref_slice %arg2[%add3A_10] : memref<8192xi32, #tpu.memory_space<hbm>> -> memref<64xi32, #tpu.memory_space<hbm>>
    tpu.enqueue_dma source(%dma_start3A_15 : memref<64xi32, #tpu.memory_space<hbm>>) target(%arg6 : memref<64xi32, #tpu.memory_space<vmem>>) target_semaphore(%dma_start3A_14 : memref<!tpu.dma_semaphore, #tpu.memory_space<semaphore_mem>>)
    %add3A_16 = arith.constant 128 : i32
    %add3A_17 = arith.addi %mul3A_2, %add3A_16 : i32
    %dma_start3A_18 = arith.constant 2 : i32
    %dma_start3A_19 = tpu.memref_slice %arg2[%add3A_17] : memref<8192xi32, #tpu.memory_space<hbm>> -> memref<64xi32, #tpu.memory_space<hbm>>
    %dma_start3A_20 = tpu.memref_slice %arg11[%dma_start3A_18] : memref<4x!tpu.dma_semaphore, #tpu.memory_space<semaphore_mem>> -> memref<1x!tpu.dma_semaphore, #tpu.memory_space<semaphore_mem>>
    %dma_start3A_21 = tpu.memref_squeeze %dma_start3A_20 : memref<1x!tpu.dma_semaphore, #tpu.memory_space<semaphore_mem>> -> memref<!tpu.dma_semaphore, #tpu.memory_space<semaphore_mem>>
    %dma_start3A_22 = tpu.memref_slice %arg2[%add3A_17] : memref<8192xi32, #tpu.memory_space<hbm>> -> memref<64xi32, #tpu.memory_space<hbm>>
    tpu.enqueue_dma source(%dma_start3A_22 : memref<64xi32, #tpu.memory_space<hbm>>) target(%arg7 : memref<64xi32, #tpu.memory_space<vmem>>) target_semaphore(%dma_start3A_21 : memref<!tpu.dma_semaphore, #tpu.memory_space<semaphore_mem>>)
    %add3A_23 = arith.constant 192 : i32
    %add3A_24 = arith.addi %mul3A_2, %add3A_23 : i32
    %dma_start3A_25 = arith.constant 3 : i32
    %dma_start3A_26 = tpu.memref_slice %arg2[%add3A_24] : memref<8192xi32, #tpu.memory_space<hbm>> -> memref<64xi32, #tpu.memory_space<hbm>>
    %dma_start3A_27 = tpu.memref_slice %arg11[%dma_start3A_25] : memref<4x!tpu.dma_semaphore, #tpu.memory_space<semaphore_mem>> -> memref<1x!tpu.dma_semaphore, #tpu.memory_space<semaphore_mem>>
    %dma_start3A_28 = tpu.memref_squeeze %dma_start3A_27 : memref<1x!tpu.dma_semaphore, #tpu.memory_space<semaphore_mem>> -> memref<!tpu.dma_semaphore, #tpu.memory_space<semaphore_mem>>
    %dma_start3A_29 = tpu.memref_slice %arg2[%add3A_24] : memref<8192xi32, #tpu.memory_space<hbm>> -> memref<64xi32, #tpu.memory_space<hbm>>
    tpu.enqueue_dma source(%dma_start3A_29 : memref<64xi32, #tpu.memory_space<hbm>>) target(%arg8 : memref<64xi32, #tpu.memory_space<vmem>>) target_semaphore(%dma_start3A_28 : memref<!tpu.dma_semaphore, #tpu.memory_space<semaphore_mem>>)
    %add3A_30 = arith.constant 0 : i32
    %add3A_31 = arith.addi %mul3A_2, %add3A_30 : i32
    %dma_wait3A = arith.constant 0 : i32
    %dma_wait3A_32 = tpu.memref_slice %arg2[%add3A_31] : memref<8192xi32, #tpu.memory_space<hbm>> -> memref<64xi32, #tpu.memory_space<hbm>>
    %dma_wait3A_33 = tpu.memref_slice %arg11[%dma_wait3A] : memref<4x!tpu.dma_semaphore, #tpu.memory_space<semaphore_mem>> -> memref<1x!tpu.dma_semaphore, #tpu.memory_space<semaphore_mem>>
    %dma_wait3A_34 = tpu.memref_squeeze %dma_wait3A_33 : memref<1x!tpu.dma_semaphore, #tpu.memory_space<semaphore_mem>> -> memref<!tpu.dma_semaphore, #tpu.memory_space<semaphore_mem>>
    %dma_wait3A_35 = tpu.memref_slice %arg2[%add3A_31] : memref<8192xi32, #tpu.memory_space<hbm>> -> memref<64xi32, #tpu.memory_space<hbm>>
    tpu.wait_dma2 semaphore(%dma_wait3A_34 : memref<!tpu.dma_semaphore, #tpu.memory_space<semaphore_mem>>) src(%dma_wait3A_35 : memref<64xi32, #tpu.memory_space<hbm>>) dst(%arg5 : memref<64xi32, #tpu.memory_space<vmem>>)
    %dma_start3A_36 = arith.constant 0 : i32
    %dma_start3A_37 = arith.constant 0 : i32
    %dma_start3A_38 = arith.constant 0 : i32
    %dma_start3A_39 = tpu.memref_slice %arg3[%dma_start3A_37, %dma_start3A_38] : memref<24576x768xf32, #tpu.memory_space<hbm>> -> memref<24576x768xf32, #tpu.memory_space<hbm>>
    %dma_start3A_40 = tpu.memref_slice %arg12[%dma_start3A_36] : memref<2x!tpu.dma_semaphore, #tpu.memory_space<semaphore_mem>> -> memref<1x!tpu.dma_semaphore, #tpu.memory_space<semaphore_mem>>
    %dma_start3A_41 = tpu.memref_squeeze %dma_start3A_40 : memref<1x!tpu.dma_semaphore, #tpu.memory_space<semaphore_mem>> -> memref<!tpu.dma_semaphore, #tpu.memory_space<semaphore_mem>>
    tpu.enqueue_indirect_dma source(%dma_start3A_39 : memref<24576x768xf32, #tpu.memory_space<hbm>>) target(%arg9 : memref<64x768xf32, #tpu.memory_space<vmem>>) offsets(%arg5 : memref<64xi32, #tpu.memory_space<vmem>>) semaphore(%dma_start3A_41 : memref<!tpu.dma_semaphore, #tpu.memory_space<semaphore_mem>>)
    %add3A_42 = arith.constant 64 : i32
    %add3A_43 = arith.addi %mul3A_2, %add3A_42 : i32
    %dma_wait3A_44 = arith.constant 1 : i32
    %dma_wait3A_45 = tpu.memref_slice %arg2[%add3A_43] : memref<8192xi32, #tpu.memory_space<hbm>> -> memref<64xi32, #tpu.memory_space<hbm>>
    %dma_wait3A_46 = tpu.memref_slice %arg11[%dma_wait3A_44] : memref<4x!tpu.dma_semaphore, #tpu.memory_space<semaphore_mem>> -> memref<1x!tpu.dma_semaphore, #tpu.memory_space<semaphore_mem>>
    %dma_wait3A_47 = tpu.memref_squeeze %dma_wait3A_46 : memref<1x!tpu.dma_semaphore, #tpu.memory_space<semaphore_mem>> -> memref<!tpu.dma_semaphore, #tpu.memory_space<semaphore_mem>>
    %dma_wait3A_48 = tpu.memref_slice %arg2[%add3A_43] : memref<8192xi32, #tpu.memory_space<hbm>> -> memref<64xi32, #tpu.memory_space<hbm>>
    tpu.wait_dma2 semaphore(%dma_wait3A_47 : memref<!tpu.dma_semaphore, #tpu.memory_space<semaphore_mem>>) src(%dma_wait3A_48 : memref<64xi32, #tpu.memory_space<hbm>>) dst(%arg6 : memref<64xi32, #tpu.memory_space<vmem>>)
    %dma_start3A_49 = arith.constant 1 : i32
    %dma_start3A_50 = arith.constant 0 : i32
    %dma_start3A_51 = arith.constant 0 : i32
    %dma_start3A_52 = tpu.memref_slice %arg3[%dma_start3A_50, %dma_start3A_51] : memref<24576x768xf32, #tpu.memory_space<hbm>> -> memref<24576x768xf32, #tpu.memory_space<hbm>>
    %dma_start3A_53 = tpu.memref_slice %arg12[%dma_start3A_49] : memref<2x!tpu.dma_semaphore, #tpu.memory_space<semaphore_mem>> -> memref<1x!tpu.dma_semaphore, #tpu.memory_space<semaphore_mem>>
    %dma_start3A_54 = tpu.memref_squeeze %dma_start3A_53 : memref<1x!tpu.dma_semaphore, #tpu.memory_space<semaphore_mem>> -> memref<!tpu.dma_semaphore, #tpu.memory_space<semaphore_mem>>
    tpu.enqueue_indirect_dma source(%dma_start3A_52 : memref<24576x768xf32, #tpu.memory_space<hbm>>) target(%arg10 : memref<64x768xf32, #tpu.memory_space<vmem>>) offsets(%arg6 : memref<64xi32, #tpu.memory_space<vmem>>) semaphore(%dma_start3A_54 : memref<!tpu.dma_semaphore, #tpu.memory_space<semaphore_mem>>)
    %dma_wait3A_55 = arith.constant 0 : i32
    %dma_wait3A_56 = arith.constant 0 : i32
    %dma_wait3A_57 = arith.constant 0 : i32
    %dma_wait3A_58 = tpu.memref_slice %arg3[%dma_wait3A_56, %dma_wait3A_57] : memref<24576x768xf32, #tpu.memory_space<hbm>> -> memref<24576x768xf32, #tpu.memory_space<hbm>>
    %dma_wait3A_59 = tpu.memref_slice %arg12[%dma_wait3A_55] : memref<2x!tpu.dma_semaphore, #tpu.memory_space<semaphore_mem>> -> memref<1x!tpu.dma_semaphore, #tpu.memory_space<semaphore_mem>>
    %dma_wait3A_60 = tpu.memref_squeeze %dma_wait3A_59 : memref<1x!tpu.dma_semaphore, #tpu.memory_space<semaphore_mem>> -> memref<!tpu.dma_semaphore, #tpu.memory_space<semaphore_mem>>
    tpu.wait_indirect_dma semaphore(%dma_wait3A_60 : memref<!tpu.dma_semaphore, #tpu.memory_space<semaphore_mem>>) src(%dma_wait3A_58 : memref<24576x768xf32, #tpu.memory_space<hbm>>) dst(%arg9 : memref<64x768xf32, #tpu.memory_space<vmem>>)
    %add3A_61 = arith.constant 0 : i32
    %add3A_62 = arith.addi %mul3A_2, %add3A_61 : i32
    "tpu.region"() ({
      %run_scoped3A = tpu.sem_alloc : memref<!tpu.dma_semaphore, #tpu.memory_space<semaphore_mem>>
      %dma_start3A_113 = arith.constant 0 : i32
      %dma_start3A_114 = tpu.memref_slice %arg4[%add3A_62, %dma_start3A_113] : memref<8192x768xf32, #tpu.memory_space<hbm>> -> memref<64x768xf32, #tpu.memory_space<hbm>>
      %dma_start3A_115 = arith.constant 0 : i32
      %dma_start3A_116 = tpu.memref_slice %arg4[%add3A_62, %dma_start3A_115] : memref<8192x768xf32, #tpu.memory_space<hbm>> -> memref<64x768xf32, #tpu.memory_space<hbm>>
      tpu.enqueue_dma source(%arg9 : memref<64x768xf32, #tpu.memory_space<vmem>>) target(%dma_start3A_116 : memref<64x768xf32, #tpu.memory_space<hbm>>) target_semaphore(%run_scoped3A : memref<!tpu.dma_semaphore, #tpu.memory_space<semaphore_mem>>)
      %dma_wait3A_117 = arith.constant 0 : i32
      %dma_wait3A_118 = tpu.memref_slice %arg4[%add3A_62, %dma_wait3A_117] : memref<8192x768xf32, #tpu.memory_space<hbm>> -> memref<64x768xf32, #tpu.memory_space<hbm>>
      %dma_wait3A_119 = arith.constant 0 : i32
      %dma_wait3A_120 = tpu.memref_slice %arg4[%add3A_62, %dma_wait3A_119] : memref<8192x768xf32, #tpu.memory_space<hbm>> -> memref<64x768xf32, #tpu.memory_space<hbm>>
      tpu.wait_dma2 semaphore(%run_scoped3A : memref<!tpu.dma_semaphore, #tpu.memory_space<semaphore_mem>>) src(%arg9 : memref<64x768xf32, #tpu.memory_space<vmem>>) dst(%dma_wait3A_120 : memref<64x768xf32, #tpu.memory_space<hbm>>)
      tpu.yield
    }) : () -> ()
    %add3A_63 = arith.constant 128 : i32
    %add3A_64 = arith.addi %mul3A_2, %add3A_63 : i32
    %dma_wait3A_65 = arith.constant 2 : i32
    %dma_wait3A_66 = tpu.memref_slice %arg2[%add3A_64] : memref<8192xi32, #tpu.memory_space<hbm>> -> memref<64xi32, #tpu.memory_space<hbm>>
    %dma_wait3A_67 = tpu.memref_slice %arg11[%dma_wait3A_65] : memref<4x!tpu.dma_semaphore, #tpu.memory_space<semaphore_mem>> -> memref<1x!tpu.dma_semaphore, #tpu.memory_space<semaphore_mem>>
    %dma_wait3A_68 = tpu.memref_squeeze %dma_wait3A_67 : memref<1x!tpu.dma_semaphore, #tpu.memory_space<semaphore_mem>> -> memref<!tpu.dma_semaphore, #tpu.memory_space<semaphore_mem>>
    %dma_wait3A_69 = tpu.memref_slice %arg2[%add3A_64] : memref<8192xi32, #tpu.memory_space<hbm>> -> memref<64xi32, #tpu.memory_space<hbm>>
    tpu.wait_dma2 semaphore(%dma_wait3A_68 : memref<!tpu.dma_semaphore, #tpu.memory_space<semaphore_mem>>) src(%dma_wait3A_69 : memref<64xi32, #tpu.memory_space<hbm>>) dst(%arg7 : memref<64xi32, #tpu.memory_space<vmem>>)
    %dma_start3A_70 = arith.constant 0 : i32
    %dma_start3A_71 = arith.constant 0 : i32
    %dma_start3A_72 = arith.constant 0 : i32
    %dma_start3A_73 = tpu.memref_slice %arg3[%dma_start3A_71, %dma_start3A_72] : memref<24576x768xf32, #tpu.memory_space<hbm>> -> memref<24576x768xf32, #tpu.memory_space<hbm>>
    %dma_start3A_74 = tpu.memref_slice %arg12[%dma_start3A_70] : memref<2x!tpu.dma_semaphore, #tpu.memory_space<semaphore_mem>> -> memref<1x!tpu.dma_semaphore, #tpu.memory_space<semaphore_mem>>
    %dma_start3A_75 = tpu.memref_squeeze %dma_start3A_74 : memref<1x!tpu.dma_semaphore, #tpu.memory_space<semaphore_mem>> -> memref<!tpu.dma_semaphore, #tpu.memory_space<semaphore_mem>>
    tpu.enqueue_indirect_dma source(%dma_start3A_73 : memref<24576x768xf32, #tpu.memory_space<hbm>>) target(%arg9 : memref<64x768xf32, #tpu.memory_space<vmem>>) offsets(%arg7 : memref<64xi32, #tpu.memory_space<vmem>>) semaphore(%dma_start3A_75 : memref<!tpu.dma_semaphore, #tpu.memory_space<semaphore_mem>>)
    %dma_wait3A_76 = arith.constant 1 : i32
    %dma_wait3A_77 = arith.constant 0 : i32
    %dma_wait3A_78 = arith.constant 0 : i32
    %dma_wait3A_79 = tpu.memref_slice %arg3[%dma_wait3A_77, %dma_wait3A_78] : memref<24576x768xf32, #tpu.memory_space<hbm>> -> memref<24576x768xf32, #tpu.memory_space<hbm>>
    %dma_wait3A_80 = tpu.memref_slice %arg12[%dma_wait3A_76] : memref<2x!tpu.dma_semaphore, #tpu.memory_space<semaphore_mem>> -> memref<1x!tpu.dma_semaphore, #tpu.memory_space<semaphore_mem>>
    %dma_wait3A_81 = tpu.memref_squeeze %dma_wait3A_80 : memref<1x!tpu.dma_semaphore, #tpu.memory_space<semaphore_mem>> -> memref<!tpu.dma_semaphore, #tpu.memory_space<semaphore_mem>>
    tpu.wait_indirect_dma semaphore(%dma_wait3A_81 : memref<!tpu.dma_semaphore, #tpu.memory_space<semaphore_mem>>) src(%dma_wait3A_79 : memref<24576x768xf32, #tpu.memory_space<hbm>>) dst(%arg10 : memref<64x768xf32, #tpu.memory_space<vmem>>)
    %add3A_82 = arith.constant 64 : i32
    %add3A_83 = arith.addi %mul3A_2, %add3A_82 : i32
    "tpu.region"() ({
      %run_scoped3A = tpu.sem_alloc : memref<!tpu.dma_semaphore, #tpu.memory_space<semaphore_mem>>
      %dma_start3A_113 = arith.constant 0 : i32
      %dma_start3A_114 = tpu.memref_slice %arg4[%add3A_83, %dma_start3A_113] : memref<8192x768xf32, #tpu.memory_space<hbm>> -> memref<64x768xf32, #tpu.memory_space<hbm>>
      %dma_start3A_115 = arith.constant 0 : i32
      %dma_start3A_116 = tpu.memref_slice %arg4[%add3A_83, %dma_start3A_115] : memref<8192x768xf32, #tpu.memory_space<hbm>> -> memref<64x768xf32, #tpu.memory_space<hbm>>
      tpu.enqueue_dma source(%arg10 : memref<64x768xf32, #tpu.memory_space<vmem>>) target(%dma_start3A_116 : memref<64x768xf32, #tpu.memory_space<hbm>>) target_semaphore(%run_scoped3A : memref<!tpu.dma_semaphore, #tpu.memory_space<semaphore_mem>>)
      %dma_wait3A_117 = arith.constant 0 : i32
      %dma_wait3A_118 = tpu.memref_slice %arg4[%add3A_83, %dma_wait3A_117] : memref<8192x768xf32, #tpu.memory_space<hbm>> -> memref<64x768xf32, #tpu.memory_space<hbm>>
      %dma_wait3A_119 = arith.constant 0 : i32
      %dma_wait3A_120 = tpu.memref_slice %arg4[%add3A_83, %dma_wait3A_119] : memref<8192x768xf32, #tpu.memory_space<hbm>> -> memref<64x768xf32, #tpu.memory_space<hbm>>
      tpu.wait_dma2 semaphore(%run_scoped3A : memref<!tpu.dma_semaphore, #tpu.memory_space<semaphore_mem>>) src(%arg10 : memref<64x768xf32, #tpu.memory_space<vmem>>) dst(%dma_wait3A_120 : memref<64x768xf32, #tpu.memory_space<hbm>>)
      tpu.yield
    }) : () -> ()
    %add3A_84 = arith.constant 192 : i32
    %add3A_85 = arith.addi %mul3A_2, %add3A_84 : i32
    %dma_wait3A_86 = arith.constant 3 : i32
    %dma_wait3A_87 = tpu.memref_slice %arg2[%add3A_85] : memref<8192xi32, #tpu.memory_space<hbm>> -> memref<64xi32, #tpu.memory_space<hbm>>
    %dma_wait3A_88 = tpu.memref_slice %arg11[%dma_wait3A_86] : memref<4x!tpu.dma_semaphore, #tpu.memory_space<semaphore_mem>> -> memref<1x!tpu.dma_semaphore, #tpu.memory_space<semaphore_mem>>
    %dma_wait3A_89 = tpu.memref_squeeze %dma_wait3A_88 : memref<1x!tpu.dma_semaphore, #tpu.memory_space<semaphore_mem>> -> memref<!tpu.dma_semaphore, #tpu.memory_space<semaphore_mem>>
    %dma_wait3A_90 = tpu.memref_slice %arg2[%add3A_85] : memref<8192xi32, #tpu.memory_space<hbm>> -> memref<64xi32, #tpu.memory_space<hbm>>
    tpu.wait_dma2 semaphore(%dma_wait3A_89 : memref<!tpu.dma_semaphore, #tpu.memory_space<semaphore_mem>>) src(%dma_wait3A_90 : memref<64xi32, #tpu.memory_space<hbm>>) dst(%arg8 : memref<64xi32, #tpu.memory_space<vmem>>)
    %dma_start3A_91 = arith.constant 1 : i32
    %dma_start3A_92 = arith.constant 0 : i32
    %dma_start3A_93 = arith.constant 0 : i32
    %dma_start3A_94 = tpu.memref_slice %arg3[%dma_start3A_92, %dma_start3A_93] : memref<24576x768xf32, #tpu.memory_space<hbm>> -> memref<24576x768xf32, #tpu.memory_space<hbm>>
    %dma_start3A_95 = tpu.memref_slice %arg12[%dma_start3A_91] : memref<2x!tpu.dma_semaphore, #tpu.memory_space<semaphore_mem>> -> memref<1x!tpu.dma_semaphore, #tpu.memory_space<semaphore_mem>>
    %dma_start3A_96 = tpu.memref_squeeze %dma_start3A_95 : memref<1x!tpu.dma_semaphore, #tpu.memory_space<semaphore_mem>> -> memref<!tpu.dma_semaphore, #tpu.memory_space<semaphore_mem>>
    tpu.enqueue_indirect_dma source(%dma_start3A_94 : memref<24576x768xf32, #tpu.memory_space<hbm>>) target(%arg10 : memref<64x768xf32, #tpu.memory_space<vmem>>) offsets(%arg8 : memref<64xi32, #tpu.memory_space<vmem>>) semaphore(%dma_start3A_96 : memref<!tpu.dma_semaphore, #tpu.memory_space<semaphore_mem>>)
    %dma_wait3A_97 = arith.constant 0 : i32
    %dma_wait3A_98 = arith.constant 0 : i32
    %dma_wait3A_99 = arith.constant 0 : i32
    %dma_wait3A_100 = tpu.memref_slice %arg3[%dma_wait3A_98, %dma_wait3A_99] : memref<24576x768xf32, #tpu.memory_space<hbm>> -> memref<24576x768xf32, #tpu.memory_space<hbm>>
    %dma_wait3A_101 = tpu.memref_slice %arg12[%dma_wait3A_97] : memref<2x!tpu.dma_semaphore, #tpu.memory_space<semaphore_mem>> -> memref<1x!tpu.dma_semaphore, #tpu.memory_space<semaphore_mem>>
    %dma_wait3A_102 = tpu.memref_squeeze %dma_wait3A_101 : memref<1x!tpu.dma_semaphore, #tpu.memory_space<semaphore_mem>> -> memref<!tpu.dma_semaphore, #tpu.memory_space<semaphore_mem>>
    tpu.wait_indirect_dma semaphore(%dma_wait3A_102 : memref<!tpu.dma_semaphore, #tpu.memory_space<semaphore_mem>>) src(%dma_wait3A_100 : memref<24576x768xf32, #tpu.memory_space<hbm>>) dst(%arg9 : memref<64x768xf32, #tpu.memory_space<vmem>>)
    %add3A_103 = arith.constant 128 : i32
    %add3A_104 = arith.addi %mul3A_2, %add3A_103 : i32
    "tpu.region"() ({
      %run_scoped3A = tpu.sem_alloc : memref<!tpu.dma_semaphore, #tpu.memory_space<semaphore_mem>>
      %dma_start3A_113 = arith.constant 0 : i32
      %dma_start3A_114 = tpu.memref_slice %arg4[%add3A_104, %dma_start3A_113] : memref<8192x768xf32, #tpu.memory_space<hbm>> -> memref<64x768xf32, #tpu.memory_space<hbm>>
      %dma_start3A_115 = arith.constant 0 : i32
      %dma_start3A_116 = tpu.memref_slice %arg4[%add3A_104, %dma_start3A_115] : memref<8192x768xf32, #tpu.memory_space<hbm>> -> memref<64x768xf32, #tpu.memory_space<hbm>>
      tpu.enqueue_dma source(%arg9 : memref<64x768xf32, #tpu.memory_space<vmem>>) target(%dma_start3A_116 : memref<64x768xf32, #tpu.memory_space<hbm>>) target_semaphore(%run_scoped3A : memref<!tpu.dma_semaphore, #tpu.memory_space<semaphore_mem>>)
      %dma_wait3A_117 = arith.constant 0 : i32
      %dma_wait3A_118 = tpu.memref_slice %arg4[%add3A_104, %dma_wait3A_117] : memref<8192x768xf32, #tpu.memory_space<hbm>> -> memref<64x768xf32, #tpu.memory_space<hbm>>
      %dma_wait3A_119 = arith.constant 0 : i32
      %dma_wait3A_120 = tpu.memref_slice %arg4[%add3A_104, %dma_wait3A_119] : memref<8192x768xf32, #tpu.memory_space<hbm>> -> memref<64x768xf32, #tpu.memory_space<hbm>>
      tpu.wait_dma2 semaphore(%run_scoped3A : memref<!tpu.dma_semaphore, #tpu.memory_space<semaphore_mem>>) src(%arg9 : memref<64x768xf32, #tpu.memory_space<vmem>>) dst(%dma_wait3A_120 : memref<64x768xf32, #tpu.memory_space<hbm>>)
      tpu.yield
    }) : () -> ()
    %dma_wait3A_105 = arith.constant 1 : i32
    %dma_wait3A_106 = arith.constant 0 : i32
    %dma_wait3A_107 = arith.constant 0 : i32
    %dma_wait3A_108 = tpu.memref_slice %arg3[%dma_wait3A_106, %dma_wait3A_107] : memref<24576x768xf32, #tpu.memory_space<hbm>> -> memref<24576x768xf32, #tpu.memory_space<hbm>>
    %dma_wait3A_109 = tpu.memref_slice %arg12[%dma_wait3A_105] : memref<2x!tpu.dma_semaphore, #tpu.memory_space<semaphore_mem>> -> memref<1x!tpu.dma_semaphore, #tpu.memory_space<semaphore_mem>>
    %dma_wait3A_110 = tpu.memref_squeeze %dma_wait3A_109 : memref<1x!tpu.dma_semaphore, #tpu.memory_space<semaphore_mem>> -> memref<!tpu.dma_semaphore, #tpu.memory_space<semaphore_mem>>
    tpu.wait_indirect_dma semaphore(%dma_wait3A_110 : memref<!tpu.dma_semaphore, #tpu.memory_space<semaphore_mem>>) src(%dma_wait3A_108 : memref<24576x768xf32, #tpu.memory_space<hbm>>) dst(%arg10 : memref<64x768xf32, #tpu.memory_space<vmem>>)
    %add3A_111 = arith.constant 192 : i32
    %add3A_112 = arith.addi %mul3A_2, %add3A_111 : i32
    "tpu.region"() ({
      %run_scoped3A = tpu.sem_alloc : memref<!tpu.dma_semaphore, #tpu.memory_space<semaphore_mem>>
      %dma_start3A_113 = arith.constant 0 : i32
      %dma_start3A_114 = tpu.memref_slice %arg4[%add3A_112, %dma_start3A_113] : memref<8192x768xf32, #tpu.memory_space<hbm>> -> memref<64x768xf32, #tpu.memory_space<hbm>>
      %dma_start3A_115 = arith.constant 0 : i32
      %dma_start3A_116 = tpu.memref_slice %arg4[%add3A_112, %dma_start3A_115] : memref<8192x768xf32, #tpu.memory_space<hbm>> -> memref<64x768xf32, #tpu.memory_space<hbm>>
      tpu.enqueue_dma source(%arg10 : memref<64x768xf32, #tpu.memory_space<vmem>>) target(%dma_start3A_116 : memref<64x768xf32, #tpu.memory_space<hbm>>) target_semaphore(%run_scoped3A : memref<!tpu.dma_semaphore, #tpu.memory_space<semaphore_mem>>)
      %dma_wait3A_117 = arith.constant 0 : i32
      %dma_wait3A_118 = tpu.memref_slice %arg4[%add3A_112, %dma_wait3A_117] : memref<8192x768xf32, #tpu.memory_space<hbm>> -> memref<64x768xf32, #tpu.memory_space<hbm>>
      %dma_wait3A_119 = arith.constant 0 : i32
      %dma_wait3A_120 = tpu.memref_slice %arg4[%add3A_112, %dma_wait3A_119] : memref<8192x768xf32, #tpu.memory_space<hbm>> -> memref<64x768xf32, #tpu.memory_space<hbm>>
      tpu.wait_dma2 semaphore(%run_scoped3A : memref<!tpu.dma_semaphore, #tpu.memory_space<semaphore_mem>>) src(%arg10 : memref<64x768xf32, #tpu.memory_space<vmem>>) dst(%dma_wait3A_120 : memref<64x768xf32, #tpu.memory_space<hbm>>)
      tpu.yield
    }) : () -> ()
    return
  }
}

module attributes {stable_mosaic.version = 14 : i64} {
  func.func @_route_body(%arg0: i32, %arg1: i32, %arg2: memref<512x768xf32, #tpu.memory_space<vmem>>, %arg3: memref<768x64xf32, #tpu.memory_space<vmem>>, %arg4: memref<64xf32, #tpu.memory_space<vmem>>, %arg5: memref<512xi32, #tpu.memory_space<vmem>>, %arg6: memref<96xi32, #tpu.memory_space<vmem>>, %arg7: memref<1xi32, #tpu.memory_space<smem>>, %arg8: memref<1x1xf32, #tpu.memory_space<smem>>, %arg9: memref<16x1x512xi32, #tpu.memory_space<vmem>>, %arg10: memref<64xf32, #tpu.memory_space<vmem>>, %arg11: memref<64xf32, #tpu.memory_space<vmem>>, %arg12: memref<64xf32, #tpu.memory_space<vmem>>) attributes {dimension_semantics = [#tpu.dimension_semantics<arbitrary>, #tpu.dimension_semantics<arbitrary>], iteration_bounds = array<i64: 2, 16>, scalar_prefetch = 0 : i64, scratch_operands = 4 : i64, tpu.core_type = #tpu.core_type<tc>, window_params = [{transform_indices = @transform_0, window_bounds = array<i64: 512, 768>}, {pipeline_mode = #tpu.pipeline_mode<synchronous>, transform_indices = @transform_1, window_bounds = array<i64: 768, 64>}, {pipeline_mode = #tpu.pipeline_mode<synchronous>, transform_indices = @transform_2, window_bounds = array<i64: 64>}, {transform_indices = @transform_3, window_bounds = array<i64: 512>}, {pipeline_mode = #tpu.pipeline_mode<synchronous>, transform_indices = @transform_4, window_bounds = array<i64: 96>}, {transform_indices = @transform_5, window_bounds = array<i64: 1>}, {transform_indices = @transform_6, window_bounds = array<i64: 1, 1>}]} {
    %eq3A = arith.constant 0 : i32
    %eq3A_0 = arith.cmpi eq, %arg0, %eq3A : i32
    %convert_element_type3A = arith.extui %eq3A_0 : i1 to i32
    %cond3A = arith.constant 0 : i32
    %cond3A_1 = arith.cmpi ne, %convert_element_type3A, %cond3A : i32
    scf.if %cond3A_1 {
      %get3A = arith.constant 0 : index
      %get3A_7 = arith.constant 0 : index
      %get3A_8 = vector.load %arg2[%get3A, %get3A_7] : memref<512x768xf32, #tpu.memory_space<vmem>>, vector<512x768xf32>
      %get3A_9 = arith.constant 0 : index
      %get3A_10 = arith.constant 0 : index
      %get3A_11 = vector.load %arg3[%get3A_9, %get3A_10] : memref<768x64xf32, #tpu.memory_space<vmem>>, vector<768x64xf32>
      %dot_general3A = arith.constant dense<0.000000e+00> : vector<512x64xf32>
      %dot_general3A_12 = tpu.matmul %get3A_8, %get3A_11, %dot_general3A {dimension_numbers = #tpu.dot_dimension_numbers<[1], [0], [0], [1], [0, 0, 1, 1], [], []>, transpose_lhs_hint = false} : vector<512x768xf32>, vector<768x64xf32>, vector<512x64xf32> -> vector<512x64xf32>
      %get3A_13 = arith.constant 0 : index
      %get3A_14 = vector.load %arg4[%get3A_13] : memref<64xf32, #tpu.memory_space<vmem>>, vector<64xf32>
      %broadcast_in_dim3A = vector.shape_cast %get3A_14 : vector<64xf32> to vector<1x64xf32>
      %add3A = vector.broadcast %broadcast_in_dim3A : vector<1x64xf32> to vector<512x64xf32>
      %add3A_15 = arith.addf %dot_general3A_12, %add3A : vector<512x64xf32>
      %reduce_max3A = arith.constant dense<0xFF800000> : vector<512xf32>
      %reduce_max3A_16 = vector.multi_reduction <maximumf>, %add3A_15, %reduce_max3A [1] : vector<512x64xf32> to vector<512xf32>
      %broadcast_in_dim3A_17 = vector.shape_cast %reduce_max3A_16 : vector<512xf32> to vector<512x1xf32>
      %iota3A = tpu.iota {dimensions = array<i32: 1>} : vector<512x64xi32>
      %eq3A_18 = vector.broadcast %broadcast_in_dim3A_17 : vector<512x1xf32> to vector<512x64xf32>
      %eq3A_19 = arith.cmpf oeq, %add3A_15, %eq3A_18 : vector<512x64xf32>
      %jit3A = arith.constant 64 : i32
      %broadcast_in_dim3A_20 = vector.broadcast %jit3A : i32 to vector<512x64xi32>
      %select_n3A = arith.select %eq3A_19, %iota3A, %broadcast_in_dim3A_20 : vector<512x64xi1>, vector<512x64xi32>
      %reduce_min3A = arith.constant dense<2147483647> : vector<512xi32>
      %reduce_min3A_21 = vector.multi_reduction <minsi>, %select_n3A, %reduce_min3A [1] : vector<512x64xi32> to vector<512xi32>
      %broadcast_in_dim3A_22 = vector.shape_cast %reduce_min3A_21 : vector<512xi32> to vector<1x512xi32>
      %swap3A = arith.index_cast %arg1 : i32 to index
      %swap3A_23 = arith.constant 0 : index
      %swap3A_24 = arith.constant 0 : index
      %swap3A_25 = vector.load %arg9[%swap3A, %swap3A_23, %swap3A_24] : memref<16x1x512xi32, #tpu.memory_space<vmem>>, vector<1x1x512xi32>
      %swap3A_26 = vector.shape_cast %swap3A_25 : vector<1x1x512xi32> to vector<1x512xi32>
      %swap3A_27 = vector.shape_cast %broadcast_in_dim3A_22 : vector<1x512xi32> to vector<1x1x512xi32>
      tpu.vector_store %arg9[%swap3A, %swap3A_23, %swap3A_24], %swap3A_27 {strides = array<i32>} : memref<16x1x512xi32, #tpu.memory_space<vmem>>, vector<1x1x512xi32>,
      %sub3A = vector.broadcast %broadcast_in_dim3A_17 : vector<512x1xf32> to vector<512x64xf32>
      %sub3A_28 = arith.subf %add3A_15, %sub3A : vector<512x64xf32>
      %exp3A = math.exp %sub3A_28 : vector<512x64xf32>
      %reduce_sum3A = arith.constant dense<0.000000e+00> : vector<512xf32>
      %reduce_sum3A_29 = vector.multi_reduction <add>, %exp3A, %reduce_sum3A [1] : vector<512x64xf32> to vector<512xf32>
      %broadcast_in_dim3A_30 = vector.shape_cast %reduce_sum3A_29 : vector<512xf32> to vector<512x1xf32>
      %div3A = vector.broadcast %broadcast_in_dim3A_30 : vector<512x1xf32> to vector<512x64xf32>
      %div3A_31 = arith.divf %exp3A, %div3A : vector<512x64xf32>
      %reduce_sum3A_32 = arith.constant dense<0.000000e+00> : vector<64xf32>
      %reduce_sum3A_33 = vector.multi_reduction <add>, %div3A_31, %reduce_sum3A_32 [0] : vector<512x64xf32> to vector<64xf32>
      %broadcast_in_dim3A_34 = vector.shape_cast %reduce_min3A_21 : vector<512xi32> to vector<512x1xi32>
      %slice3A = vector.extract_strided_slice %iota3A {offsets = [0, 0], sizes = [1, 64], strides = [1, 1]} : vector<512x64xi32> to vector<1x64xi32>
      %eq3A_35 = vector.broadcast %broadcast_in_dim3A_34 : vector<512x1xi32> to vector<512x64xi32>
      %eq3A_36 = vector.broadcast %slice3A : vector<1x64xi32> to vector<512x64xi32>
      %eq3A_37 = arith.cmpi eq, %eq3A_35, %eq3A_36 : vector<512x64xi32>
      %convert_element_type3A_38 = arith.extui %eq3A_37 : vector<512x64xi1> to vector<512x64xi32>
      %convert_element_type3A_39 = arith.sitofp %convert_element_type3A_38 : vector<512x64xi32> to vector<512x64xf32>
      %reduce_sum3A_40 = arith.constant dense<0.000000e+00> : vector<64xf32>
      %reduce_sum3A_41 = vector.multi_reduction <add>, %convert_element_type3A_39, %reduce_sum3A_40 [0] : vector<512x64xf32> to vector<64xf32>
      %eq3A_42 = arith.constant 0 : i32
      %eq3A_43 = arith.cmpi eq, %arg1, %eq3A_42 : i32
      %convert_element_type3A_44 = arith.extui %eq3A_43 : i1 to i32
      %cond3A_45 = arith.constant 0 : i32
      %cond3A_46 = arith.cmpi ne, %convert_element_type3A_44, %cond3A_45 : i32
      scf.if %cond3A_46 {
        %swap3A_56 = arith.constant 0 : index
        %swap3A_57 = vector.load %arg10[%swap3A_56] : memref<64xf32, #tpu.memory_space<vmem>>, vector<64xf32>
        tpu.vector_store %arg10[%swap3A_56], %reduce_sum3A_41 {strides = array<i32>} : memref<64xf32, #tpu.memory_space<vmem>>, vector<64xf32>,
        %swap3A_58 = arith.constant 0 : index
        %swap3A_59 = vector.load %arg11[%swap3A_58] : memref<64xf32, #tpu.memory_space<vmem>>, vector<64xf32>
        tpu.vector_store %arg11[%swap3A_58], %reduce_sum3A_33 {strides = array<i32>} : memref<64xf32, #tpu.memory_space<vmem>>, vector<64xf32>,
      } else {
      }
      %gt3A = arith.constant 0 : i32
      %gt3A_47 = arith.cmpi sgt, %arg1, %gt3A : i32
      %convert_element_type3A_48 = arith.extui %gt3A_47 : i1 to i32
      %cond3A_49 = arith.constant 0 : i32
      %cond3A_50 = arith.cmpi ne, %convert_element_type3A_48, %cond3A_49 : i32
      scf.if %cond3A_50 {
        %get3A_56 = arith.constant 0 : index
        %get3A_57 = vector.load %arg10[%get3A_56] : memref<64xf32, #tpu.memory_space<vmem>>, vector<64xf32>
        %add3A_58 = arith.addf %get3A_57, %reduce_sum3A_41 : vector<64xf32>
        %swap3A_59 = arith.constant 0 : index
        %swap3A_60 = vector.load %arg10[%swap3A_59] : memref<64xf32, #tpu.memory_space<vmem>>, vector<64xf32>
        tpu.vector_store %arg10[%swap3A_59], %add3A_58 {strides = array<i32>} : memref<64xf32, #tpu.memory_space<vmem>>, vector<64xf32>,
        %get3A_61 = arith.constant 0 : index
        %get3A_62 = vector.load %arg11[%get3A_61] : memref<64xf32, #tpu.memory_space<vmem>>, vector<64xf32>
        %add3A_63 = arith.addf %get3A_62, %reduce_sum3A_33 : vector<64xf32>
        %swap3A_64 = arith.constant 0 : index
        %swap3A_65 = vector.load %arg11[%swap3A_64] : memref<64xf32, #tpu.memory_space<vmem>>, vector<64xf32>
        tpu.vector_store %arg11[%swap3A_64], %add3A_63 {strides = array<i32>} : memref<64xf32, #tpu.memory_space<vmem>>, vector<64xf32>,
      } else {
      }
      %eq3A_51 = arith.constant 15 : i32
      %eq3A_52 = arith.cmpi eq, %arg1, %eq3A_51 : i32
      %convert_element_type3A_53 = arith.extui %eq3A_52 : i1 to i32
      %cond3A_54 = arith.constant 0 : i32
      %cond3A_55 = arith.cmpi ne, %convert_element_type3A_53, %cond3A_54 : i32
      scf.if %cond3A_55 {
        %get3A_56 = arith.constant 0 : index
        %get3A_57 = vector.load %arg10[%get3A_56] : memref<64xf32, #tpu.memory_space<vmem>>, vector<64xf32>
        %div3A_58 = arith.constant 8.192000e+03 : f32
        %div3A_59 = vector.broadcast %div3A_58 : f32 to vector<64xf32>
        %div3A_60 = arith.divf %get3A_57, %div3A_59 : vector<64xf32>
        %get3A_61 = arith.constant 0 : index
        %get3A_62 = vector.load %arg11[%get3A_61] : memref<64xf32, #tpu.memory_space<vmem>>, vector<64xf32>
        %div3A_63 = arith.constant 8.192000e+03 : f32
        %div3A_64 = vector.broadcast %div3A_63 : f32 to vector<64xf32>
        %div3A_65 = arith.divf %get3A_62, %div3A_64 : vector<64xf32>
        %mul3A = arith.mulf %div3A_60, %div3A_65 : vector<64xf32>
        %reduce_sum3A_66 = vector.shape_cast %mul3A : vector<64xf32> to vector<1x64xf32>
        %reduce_sum3A_67 = arith.constant dense<0.000000e+00> : vector<1xf32>
        %reduce_sum3A_68 = vector.multi_reduction <add>, %reduce_sum3A_66, %reduce_sum3A_67 [1] : vector<1x64xf32> to vector<1xf32>
        %reduce_sum3A_69 = vector.shape_cast %reduce_sum3A_68 : vector<1xf32> to vector<1x1xf32>
        %reduce_sum3A_70 = vector.extract %reduce_sum3A_69[0, 0] : f32 from vector<1x1xf32>
        %mul3A_71 = arith.constant 6.400000e+01 : f32
        %mul3A_72 = arith.mulf %mul3A_71, %reduce_sum3A_70 : f32
        %mul3A_73 = arith.constant 1.000000e-03 : f32
        %mul3A_74 = arith.mulf %mul3A_72, %mul3A_73 : f32
        %swap3A_75 = arith.constant 0 : index
        %swap3A_76 = arith.constant 0 : index
        %swap3A_77 = memref.load %arg8[%swap3A_75, %swap3A_76] : memref<1x1xf32, #tpu.memory_space<smem>>
        memref.store %mul3A_74, %arg8[%swap3A_75, %swap3A_76] : memref<1x1xf32, #tpu.memory_space<smem>>
      } else {
      }
    } else {
    }
    %eq3A_2 = arith.constant 1 : i32
    %eq3A_3 = arith.cmpi eq, %arg0, %eq3A_2 : i32
    %convert_element_type3A_4 = arith.extui %eq3A_3 : i1 to i32
    %cond3A_5 = arith.constant 0 : i32
    %cond3A_6 = arith.cmpi ne, %convert_element_type3A_4, %cond3A_5 : i32
    scf.if %cond3A_6 {
      %eq3A_7 = arith.constant 0 : i32
      %eq3A_8 = arith.cmpi eq, %arg1, %eq3A_7 : i32
      %convert_element_type3A_9 = arith.extui %eq3A_8 : i1 to i32
      %cond3A_10 = arith.constant 0 : i32
      %cond3A_11 = arith.cmpi ne, %convert_element_type3A_9, %cond3A_10 : i32
      scf.if %cond3A_11 {
        %get3A_37 = arith.constant 0 : index
        %get3A_38 = vector.load %arg10[%get3A_37] : memref<64xf32, #tpu.memory_space<vmem>>, vector<64xf32>
        %div3A = arith.constant 2.560000e+02 : f32
        %div3A_39 = vector.broadcast %div3A : f32 to vector<64xf32>
        %div3A_40 = arith.divf %get3A_38, %div3A_39 : vector<64xf32>
        %ceil3A = math.ceil %div3A_40 : vector<64xf32>
        %mul3A_41 = arith.constant 2.560000e+02 : f32
        %mul3A_42 = vector.broadcast %mul3A_41 : f32 to vector<64xf32>
        %mul3A_43 = arith.mulf %ceil3A, %mul3A_42 : vector<64xf32>
        %reduce_sum3A_44 = vector.shape_cast %mul3A_43 : vector<64xf32> to vector<1x64xf32>
        %reduce_sum3A_45 = arith.constant dense<0.000000e+00> : vector<1xf32>
        %reduce_sum3A_46 = vector.multi_reduction <add>, %reduce_sum3A_44, %reduce_sum3A_45 [1] : vector<1x64xf32> to vector<1xf32>
        %reduce_sum3A_47 = vector.shape_cast %reduce_sum3A_46 : vector<1xf32> to vector<1x1xf32>
        %reduce_sum3A_48 = vector.extract %reduce_sum3A_47[0, 0] : f32 from vector<1x1xf32>
        %div3A_49 = arith.constant 2.560000e+02 : f32
        %div3A_50 = arith.divf %reduce_sum3A_48, %div3A_49 : f32
        %convert_element_type3A_51 = arith.fptosi %div3A_50 : f32 to i32
        %swap3A_52 = arith.constant 0 : index
        %swap3A_53 = memref.load %arg7[%swap3A_52] : memref<1xi32, #tpu.memory_space<smem>>
        memref.store %convert_element_type3A_51, %arg7[%swap3A_52] : memref<1xi32, #tpu.memory_space<smem>>
        %iota3A_54 = tpu.iota {dimensions = array<i32: 0>} : vector<64x64xi32>
        %iota3A_55 = tpu.iota {dimensions = array<i32: 1>} : vector<64x64xi32>
        %lt3A_56 = arith.cmpi slt, %iota3A_55, %iota3A_54 : vector<64x64xi32>
        %convert_element_type3A_57 = arith.extui %lt3A_56 : vector<64x64xi1> to vector<64x64xi32>
        %convert_element_type3A_58 = arith.sitofp %convert_element_type3A_57 : vector<64x64xi32> to vector<64x64xf32>
        %broadcast_in_dim3A_59 = vector.shape_cast %mul3A_43 : vector<64xf32> to vector<64x1xf32>
        %dot_general3A_60 = arith.constant dense<0.000000e+00> : vector<64x1xf32>
        %dot_general3A_61 = tpu.matmul %convert_element_type3A_58, %broadcast_in_dim3A_59, %dot_general3A_60 {dimension_numbers = #tpu.dot_dimension_numbers<[1], [0], [0], [1], [0, 0, 1, 1], [], []>, transpose_lhs_hint = false} : vector<64x64xf32>, vector<64x1xf32>, vector<64x1xf32> -> vector<64x1xf32>
        %squeeze3A_62 = vector.shape_cast %dot_general3A_61 : vector<64x1xf32> to vector<64xf32>
        %swap3A_63 = arith.constant 0 : index
        %swap3A_64 = vector.load %arg12[%swap3A_63] : memref<64xf32, #tpu.memory_space<vmem>>, vector<64xf32>
        tpu.vector_store %arg12[%swap3A_63], %squeeze3A_62 {strides = array<i32>} : memref<64xf32, #tpu.memory_space<vmem>>, vector<64xf32>,
        %iota3A_65 = tpu.iota {dimensions = array<i32: 0>} : vector<96x64xi32>
        %mul3A_66 = arith.constant 256 : i32
        %mul3A_67 = vector.broadcast %mul3A_66 : i32 to vector<96x64xi32>
        %mul3A_68 = arith.muli %iota3A_65, %mul3A_67 : vector<96x64xi32>
        %broadcast_in_dim3A_69 = vector.shape_cast %squeeze3A_62 : vector<64xf32> to vector<1x64xf32>
        %convert_element_type3A_70 = arith.sitofp %mul3A_68 : vector<96x64xi32> to vector<96x64xf32>
        %le3A = vector.broadcast %broadcast_in_dim3A_69 : vector<1x64xf32> to vector<96x64xf32>
        %le3A_71 = arith.cmpf ole, %le3A, %convert_element_type3A_70 : vector<96x64xf32>
        %convert_element_type3A_72 = arith.extui %le3A_71 : vector<96x64xi1> to vector<96x64xi32>
        %reduce_sum3A_73 = arith.constant dense<0> : vector<96xi32>
        %reduce_sum3A_74 = vector.multi_reduction <add>, %convert_element_type3A_72, %reduce_sum3A_73 [1] : vector<96x64xi32> to vector<96xi32>
        %sub3A = arith.constant 1 : i32
        %sub3A_75 = vector.broadcast %sub3A : i32 to vector<96xi32>
        %sub3A_76 = arith.subi %reduce_sum3A_74, %sub3A_75 : vector<96xi32>
        %swap3A_77 = arith.constant 0 : index
        %swap3A_78 = vector.load %arg6[%swap3A_77] : memref<96xi32, #tpu.memory_space<vmem>>, vector<96xi32>
        tpu.vector_store %arg6[%swap3A_77], %sub3A_76 {strides = array<i32>} : memref<96xi32, #tpu.memory_space<vmem>>, vector<96xi32>,
      } else {
      }
      %get3A = arith.index_cast %arg1 : i32 to index
      %get3A_12 = arith.constant 0 : index
      %get3A_13 = arith.constant 0 : index
      %get3A_14 = vector.load %arg9[%get3A, %get3A_12, %get3A_13] : memref<16x1x512xi32, #tpu.memory_space<vmem>>, vector<1x1x512xi32>
      %get3A_15 = vector.shape_cast %get3A_14 : vector<1x1x512xi32> to vector<1x512xi32>
      %squeeze3A = vector.shape_cast %get3A_15 : vector<1x512xi32> to vector<512xi32>
      %iota3A = tpu.iota {dimensions = array<i32: 1>} : vector<512x64xi32>
      %broadcast_in_dim3A = vector.shape_cast %squeeze3A : vector<512xi32> to vector<512x1xi32>
      %eq3A_16 = vector.broadcast %broadcast_in_dim3A : vector<512x1xi32> to vector<512x64xi32>
      %eq3A_17 = arith.cmpi eq, %eq3A_16, %iota3A : vector<512x64xi32>
      %convert_element_type3A_18 = arith.extui %eq3A_17 : vector<512x64xi1> to vector<512x64xi32>
      %convert_element_type3A_19 = arith.sitofp %convert_element_type3A_18 : vector<512x64xi32> to vector<512x64xf32>
      %iota3A_20 = tpu.iota {dimensions = array<i32: 0>} : vector<512x512xi32>
      %iota3A_21 = tpu.iota {dimensions = array<i32: 1>} : vector<512x512xi32>
      %lt3A = arith.cmpi slt, %iota3A_21, %iota3A_20 : vector<512x512xi32>
      %convert_element_type3A_22 = arith.extui %lt3A : vector<512x512xi1> to vector<512x512xi32>
      %convert_element_type3A_23 = arith.sitofp %convert_element_type3A_22 : vector<512x512xi32> to vector<512x512xf32>
      %dot_general3A = arith.constant dense<0.000000e+00> : vector<512x64xf32>
      %dot_general3A_24 = tpu.matmul %convert_element_type3A_23, %convert_element_type3A_19, %dot_general3A {dimension_numbers = #tpu.dot_dimension_numbers<[1], [0], [0], [1], [0, 0, 1, 1], [], []>, transpose_lhs_hint = false} : vector<512x512xf32>, vector<512x64xf32>, vector<512x64xf32> -> vector<512x64xf32>
      %get3A_25 = arith.constant 0 : index
      %get3A_26 = vector.load %arg12[%get3A_25] : memref<64xf32, #tpu.memory_space<vmem>>, vector<64xf32>
      %broadcast_in_dim3A_27 = vector.shape_cast %get3A_26 : vector<64xf32> to vector<1x64xf32>
      %add3A = vector.broadcast %broadcast_in_dim3A_27 : vector<1x64xf32> to vector<512x64xf32>
      %add3A_28 = arith.addf %add3A, %dot_general3A_24 : vector<512x64xf32>
      %mul3A = arith.mulf %convert_element_type3A_19, %add3A_28 : vector<512x64xf32>
      %reduce_sum3A = arith.constant dense<0.000000e+00> : vector<512xf32>
      %reduce_sum3A_29 = vector.multi_reduction <add>, %mul3A, %reduce_sum3A [1] : vector<512x64xf32> to vector<512xf32>
      %convert_element_type3A_30 = arith.fptosi %reduce_sum3A_29 : vector<512xf32> to vector<512xi32>
      %swap3A = arith.constant 0 : index
      %swap3A_31 = vector.load %arg5[%swap3A] : memref<512xi32, #tpu.memory_space<vmem>>, vector<512xi32>
      tpu.vector_store %arg5[%swap3A], %convert_element_type3A_30 {strides = array<i32>} : memref<512xi32, #tpu.memory_space<vmem>>, vector<512xi32>,
      %reduce_sum3A_32 = arith.constant dense<0.000000e+00> : vector<64xf32>
      %reduce_sum3A_33 = vector.multi_reduction <add>, %convert_element_type3A_19, %reduce_sum3A_32 [0] : vector<512x64xf32> to vector<64xf32>
      %add3A_34 = arith.addf %get3A_26, %reduce_sum3A_33 : vector<64xf32>
      %swap3A_35 = arith.constant 0 : index
      %swap3A_36 = vector.load %arg12[%swap3A_35] : memref<64xf32, #tpu.memory_space<vmem>>, vector<64xf32>
      tpu.vector_store %arg12[%swap3A_35], %add3A_34 {strides = array<i32>} : memref<64xf32, #tpu.memory_space<vmem>>, vector<64xf32>,
    } else {
    }
    return
  }
  func.func @transform_0(%arg0: i32, %arg1: i32) -> (i32, i32) {
    %eq3A = arith.constant 0 : i32
    %eq3A_0 = arith.cmpi eq, %arg0, %eq3A : i32
    %jit3A = arith.constant 0 : i32
    %select_n3A = arith.select %eq3A_0, %arg1, %jit3A : i32
    %c0_i32 = arith.constant 0 : i32
    %c0_i32_1 = arith.constant 0 : i32
    return %select_n3A, %c0_i32 : i32, i32
  }
  func.func @transform_1(%arg0: i32, %arg1: i32) -> (i32, i32) {
    %c0_i32 = arith.constant 0 : i32
    %c0_i32_0 = arith.constant 0 : i32
    %c0_i32_1 = arith.constant 0 : i32
    return %c0_i32, %c0_i32_0 : i32, i32
  }
  func.func @transform_2(%arg0: i32, %arg1: i32) -> i32 {
    %c0_i32 = arith.constant 0 : i32
    %c0_i32_0 = arith.constant 0 : i32
    return %c0_i32 : i32
  }
  func.func @transform_3(%arg0: i32, %arg1: i32) -> i32 {
    %eq3A = arith.constant 0 : i32
    %eq3A_0 = arith.cmpi eq, %arg0, %eq3A : i32
    %jit3A = arith.constant 0 : i32
    %select_n3A = arith.select %eq3A_0, %jit3A, %arg1 : i32
    %c0_i32 = arith.constant 0 : i32
    return %select_n3A : i32
  }
  func.func @transform_4(%arg0: i32, %arg1: i32) -> i32 {
    %c0_i32 = arith.constant 0 : i32
    %c0_i32_0 = arith.constant 0 : i32
    return %c0_i32 : i32
  }
  func.func @transform_5(%arg0: i32, %arg1: i32) -> i32 {
    %c0_i32 = arith.constant 0 : i32
    %c0_i32_0 = arith.constant 0 : i32
    return %c0_i32 : i32
  }
  func.func @transform_6(%arg0: i32, %arg1: i32) -> (i32, i32) {
    %c0_i32 = arith.constant 0 : i32
    %c0_i32_0 = arith.constant 0 : i32
    %c0_i32_1 = arith.constant 0 : i32
    return %c0_i32, %c0_i32_0 : i32, i32
  }
}

module attributes {stable_mosaic.version = 14 : i64} {
  func.func @_ffn_body(%arg0: i32, %arg1: memref<96xi32, #tpu.memory_space<smem>>, %arg2: memref<1xi32, #tpu.memory_space<smem>>, %arg3: memref<256x768xf32, #tpu.memory_space<vmem>>, %arg4: memref<1x768x1536xf32, #tpu.memory_space<vmem>>, %arg5: memref<1x1x1536xf32, #tpu.memory_space<vmem>>, %arg6: memref<1x1536x768xf32, #tpu.memory_space<vmem>>, %arg7: memref<1x1x768xf32, #tpu.memory_space<vmem>>, %arg8: memref<256x768xf32, #tpu.memory_space<vmem>>) attributes {dimension_semantics = [#tpu.dimension_semantics<arbitrary>], iteration_bounds = array<i64: 96>, scalar_prefetch = 2 : i64, scratch_operands = 0 : i64, tpu.core_type = #tpu.core_type<tc>, window_params = [{transform_indices = @transform_0, window_bounds = array<i64: 256, 768>}, {transform_indices = @transform_1, window_bounds = array<i64: 1, 768, 1536>}, {transform_indices = @transform_2, window_bounds = array<i64: 1, 1, 1536>}, {transform_indices = @transform_3, window_bounds = array<i64: 1, 1536, 768>}, {transform_indices = @transform_4, window_bounds = array<i64: 1, 1, 768>}, {transform_indices = @transform_5, window_bounds = array<i64: 256, 768>}]} {
    %get3A = arith.constant 0 : index
    %get3A_0 = memref.load %arg2[%get3A] : memref<1xi32, #tpu.memory_space<smem>>
    %lt3A = arith.cmpi slt, %arg0, %get3A_0 : i32
    %convert_element_type3A = arith.extui %lt3A : i1 to i32
    %cond3A = arith.constant 0 : i32
    %cond3A_1 = arith.cmpi ne, %convert_element_type3A, %cond3A : i32
    scf.if %cond3A_1 {
      %get3A_2 = arith.constant 0 : index
      %get3A_3 = arith.constant 0 : index
      %get3A_4 = vector.load %arg3[%get3A_2, %get3A_3] : memref<256x768xf32, #tpu.memory_space<vmem>>, vector<256x768xf32>
      %get3A_5 = arith.constant 0 : index
      %get3A_6 = arith.constant 0 : index
      %get3A_7 = arith.constant 0 : index
      %get3A_8 = vector.load %arg4[%get3A_5, %get3A_6, %get3A_7] : memref<1x768x1536xf32, #tpu.memory_space<vmem>>, vector<1x768x1536xf32>
      %get3A_9 = vector.shape_cast %get3A_8 : vector<1x768x1536xf32> to vector<768x1536xf32>
      %dot_general3A = arith.constant dense<0.000000e+00> : vector<256x1536xf32>
      %dot_general3A_10 = tpu.matmul %get3A_4, %get3A_9, %dot_general3A {dimension_numbers = #tpu.dot_dimension_numbers<[1], [0], [0], [1], [0, 0, 1, 1], [], []>, transpose_lhs_hint = false} : vector<256x768xf32>, vector<768x1536xf32>, vector<256x1536xf32> -> vector<256x1536xf32>
      %get3A_11 = arith.constant 0 : index
      %get3A_12 = arith.constant 0 : index
      %get3A_13 = arith.constant 0 : index
      %get3A_14 = vector.load %arg5[%get3A_11, %get3A_12, %get3A_13] : memref<1x1x1536xf32, #tpu.memory_space<vmem>>, vector<1x1x1536xf32>
      %get3A_15 = vector.shape_cast %get3A_14 : vector<1x1x1536xf32> to vector<1x1536xf32>
      %add3A = vector.broadcast %get3A_15 : vector<1x1536xf32> to vector<256x1536xf32>
      %add3A_16 = arith.addf %dot_general3A_10, %add3A : vector<256x1536xf32>
      %mul3A = arith.constant 5.000000e-01 : f32
      %mul3A_17 = vector.broadcast %mul3A : f32 to vector<256x1536xf32>
      %mul3A_18 = arith.mulf %mul3A_17, %add3A_16 : vector<256x1536xf32>
      %mul3A_19 = arith.constant 0.707106769 : f32
      %mul3A_20 = vector.broadcast %mul3A_19 : f32 to vector<256x1536xf32>
      %mul3A_21 = arith.mulf %add3A_16, %mul3A_20 : vector<256x1536xf32>
      %erf3A = math.erf %mul3A_21 : vector<256x1536xf32>
      %add3A_22 = arith.constant 1.000000e+00 : f32
      %add3A_23 = vector.broadcast %add3A_22 : f32 to vector<256x1536xf32>
      %add3A_24 = arith.addf %add3A_23, %erf3A : vector<256x1536xf32>
      %mul3A_25 = arith.mulf %mul3A_18, %add3A_24 : vector<256x1536xf32>
      %get3A_26 = arith.constant 0 : index
      %get3A_27 = arith.constant 0 : index
      %get3A_28 = arith.constant 0 : index
      %get3A_29 = vector.load %arg6[%get3A_26, %get3A_27, %get3A_28] : memref<1x1536x768xf32, #tpu.memory_space<vmem>>, vector<1x1536x768xf32>
      %get3A_30 = vector.shape_cast %get3A_29 : vector<1x1536x768xf32> to vector<1536x768xf32>
      %dot_general3A_31 = arith.constant dense<0.000000e+00> : vector<256x768xf32>
      %dot_general3A_32 = tpu.matmul %mul3A_25, %get3A_30, %dot_general3A_31 {dimension_numbers = #tpu.dot_dimension_numbers<[1], [0], [0], [1], [0, 0, 1, 1], [], []>, transpose_lhs_hint = false} : vector<256x1536xf32>, vector<1536x768xf32>, vector<256x768xf32> -> vector<256x768xf32>
      %get3A_33 = arith.constant 0 : index
      %get3A_34 = arith.constant 0 : index
      %get3A_35 = arith.constant 0 : index
      %get3A_36 = vector.load %arg7[%get3A_33, %get3A_34, %get3A_35] : memref<1x1x768xf32, #tpu.memory_space<vmem>>, vector<1x1x768xf32>
      %get3A_37 = vector.shape_cast %get3A_36 : vector<1x1x768xf32> to vector<1x768xf32>
      %add3A_38 = vector.broadcast %get3A_37 : vector<1x768xf32> to vector<256x768xf32>
      %add3A_39 = arith.addf %dot_general3A_32, %add3A_38 : vector<256x768xf32>
      %swap3A = arith.constant 0 : index
      %swap3A_40 = arith.constant 0 : index
      %swap3A_41 = vector.load %arg8[%swap3A, %swap3A_40] : memref<256x768xf32, #tpu.memory_space<vmem>>, vector<256x768xf32>
      tpu.vector_store %arg8[%swap3A, %swap3A_40], %add3A_39 {strides = array<i32>} : memref<256x768xf32, #tpu.memory_space<vmem>>, vector<256x768xf32>,
    } else {
    }
    return
  }
  func.func @transform_0(%arg0: i32, %arg1: memref<96xi32, #tpu.memory_space<smem>>, %arg2: memref<1xi32, #tpu.memory_space<smem>>) -> (i32, i32) {
    %get3A = arith.constant 0 : index
    %get3A_0 = memref.load %arg2[%get3A] : memref<1xi32, #tpu.memory_space<smem>>
    %sub3A = arith.constant 1 : i32
    %sub3A_1 = arith.subi %get3A_0, %sub3A : i32
    %min3A = arith.minsi %arg0, %sub3A_1 : i32
    %c0_i32 = arith.constant 0 : i32
    %c0_i32_2 = arith.constant 0 : i32
    return %min3A, %c0_i32 : i32, i32
  }
  func.func @transform_1(%arg0: i32, %arg1: memref<96xi32, #tpu.memory_space<smem>>, %arg2: memref<1xi32, #tpu.memory_space<smem>>) -> (i32, i32, i32) {
    %get3A = arith.constant 0 : index
    %get3A_0 = memref.load %arg2[%get3A] : memref<1xi32, #tpu.memory_space<smem>>
    %sub3A = arith.constant 1 : i32
    %sub3A_1 = arith.subi %get3A_0, %sub3A : i32
    %min3A = arith.minsi %arg0, %sub3A_1 : i32
    %get3A_2 = arith.index_cast %min3A : i32 to index
    %get3A_3 = memref.load %arg1[%get3A_2] : memref<96xi32, #tpu.memory_space<smem>>
    %c0_i32 = arith.constant 0 : i32
    %c0_i32_4 = arith.constant 0 : i32
    %c0_i32_5 = arith.constant 0 : i32
    return %get3A_3, %c0_i32, %c0_i32_4 : i32, i32, i32
  }
  func.func @transform_2(%arg0: i32, %arg1: memref<96xi32, #tpu.memory_space<smem>>, %arg2: memref<1xi32, #tpu.memory_space<smem>>) -> (i32, i32, i32) {
    %get3A = arith.constant 0 : index
    %get3A_0 = memref.load %arg2[%get3A] : memref<1xi32, #tpu.memory_space<smem>>
    %sub3A = arith.constant 1 : i32
    %sub3A_1 = arith.subi %get3A_0, %sub3A : i32
    %min3A = arith.minsi %arg0, %sub3A_1 : i32
    %get3A_2 = arith.index_cast %min3A : i32 to index
    %get3A_3 = memref.load %arg1[%get3A_2] : memref<96xi32, #tpu.memory_space<smem>>
    %c0_i32 = arith.constant 0 : i32
    %c0_i32_4 = arith.constant 0 : i32
    %c0_i32_5 = arith.constant 0 : i32
    return %get3A_3, %c0_i32, %c0_i32_4 : i32, i32, i32
  }
  func.func @transform_3(%arg0: i32, %arg1: memref<96xi32, #tpu.memory_space<smem>>, %arg2: memref<1xi32, #tpu.memory_space<smem>>) -> (i32, i32, i32) {
    %get3A = arith.constant 0 : index
    %get3A_0 = memref.load %arg2[%get3A] : memref<1xi32, #tpu.memory_space<smem>>
    %sub3A = arith.constant 1 : i32
    %sub3A_1 = arith.subi %get3A_0, %sub3A : i32
    %min3A = arith.minsi %arg0, %sub3A_1 : i32
    %get3A_2 = arith.index_cast %min3A : i32 to index
    %get3A_3 = memref.load %arg1[%get3A_2] : memref<96xi32, #tpu.memory_space<smem>>
    %c0_i32 = arith.constant 0 : i32
    %c0_i32_4 = arith.constant 0 : i32
    %c0_i32_5 = arith.constant 0 : i32
    return %get3A_3, %c0_i32, %c0_i32_4 : i32, i32, i32
  }
  func.func @transform_4(%arg0: i32, %arg1: memref<96xi32, #tpu.memory_space<smem>>, %arg2: memref<1xi32, #tpu.memory_space<smem>>) -> (i32, i32, i32) {
    %get3A = arith.constant 0 : index
    %get3A_0 = memref.load %arg2[%get3A] : memref<1xi32, #tpu.memory_space<smem>>
    %sub3A = arith.constant 1 : i32
    %sub3A_1 = arith.subi %get3A_0, %sub3A : i32
    %min3A = arith.minsi %arg0, %sub3A_1 : i32
    %get3A_2 = arith.index_cast %min3A : i32 to index
    %get3A_3 = memref.load %arg1[%get3A_2] : memref<96xi32, #tpu.memory_space<smem>>
    %c0_i32 = arith.constant 0 : i32
    %c0_i32_4 = arith.constant 0 : i32
    %c0_i32_5 = arith.constant 0 : i32
    return %get3A_3, %c0_i32, %c0_i32_4 : i32, i32, i32
  }
  func.func @transform_5(%arg0: i32, %arg1: memref<96xi32, #tpu.memory_space<smem>>, %arg2: memref<1xi32, #tpu.memory_space<smem>>) -> (i32, i32) {
    %get3A = arith.constant 0 : index
    %get3A_0 = memref.load %arg2[%get3A] : memref<1xi32, #tpu.memory_space<smem>>
    %sub3A = arith.constant 1 : i32
    %sub3A_1 = arith.subi %get3A_0, %sub3A : i32
    %min3A = arith.minsi %arg0, %sub3A_1 : i32
    %c0_i32 = arith.constant 0 : i32
    %c0_i32_2 = arith.constant 0 : i32
    return %min3A, %c0_i32 : i32, i32
  }
}

</mosaic_0001>

<sc_bundles>
// kernel: kernel.6.cloned.1.call-start
scs
__scs_entry_jumppad:
0x0: {  	(pc) =	sbr.rel $0x88, $3  }
0x1: {  	(tag) =	ssettag $0x0;
	lr =	simm.s32 $0x1  }
0x2: {  	[smem:$0x3F9A] =	sst lr;
	_ =	strace $0xD0000000  }
0x3: {  	_ = 	snop  }
0x4: {  	_ = 	snop  }
0x5: {  	_ = 	snop  }
0x6: {  	_ = 	snop  }
0x7: {  	_ = 	snop  }
__scs_overlays_trampoline_lowered:
0x8: {  	[smem:$0x3FA9] =	sst s0  }
0x9: {  	[smem:$0x3FAA] =	sst s1  }
0xa: {  	[smem:$0x3FAB] =	sst s2  }
0xb: {  	[smem:$0x3FAC] =	sst s3  }
0xc: {  	[smem:$0x3FAD] =	sst s4  }
0xd: {  	[smem:$0x3FAE] =	sst s5  }
0xe: {  	[smem:$0x3FAF] =	sst s6  }
0xf: {  	[smem:$0x3FB0] =	sst s7  }
0x10: {  	[smem:$0x3FB1] =	sst s8  }
0x11: {  	[smem:$0x3FB2] =	sst s9;
	s0 =	simm.s32 @!p0 $0x0  }
0x12: {  	s1 =	sld [smem:$0x3F98];
	s0 =	simm.s32 @p0 $0x1  }
0x13: {  	[smem:$0x3FB3] =	sst s0;
	s0 =	simm.s32 @!p1 $0x0  }
0x14: {  	s2 =	sld [smem:$0x3F97];
	s0 =	simm.s32 @p1 $0x1  }
0x15: {  	[smem:$0x3FB4] =	sst s0;
	s0 =	simm.s32 @!p2 $0x0  }
0x16: {  	s3 =	sld [smem:$0x3FDB];
	s0 =	simm.s32 @p2 $0x1  }
0x17: {  	s4 =	simm.s32 $0x1BF5;
	[smem:$0x3FB6] =	sst s0  }
0x18: {  	s0 =	sld [smem:$0x3F99];
	_ =	swait.ge [sflag:s4], $0x0  }
0x19: {  	s7 =	sld [smem:$0x3F9A]  }
0x1a: {  	s8 =	sadd.s32 $0xFFFFE003, lr  }
0x1b: {  	s9 =	sadd.s32 $0xFFFFFEF7, lr;
	s5 =	simm.s32 $0xFFFFFFFF;
	p2 =	slt.u32 s8, $0xFFFFF086  }
0x1c: {  	p1 =	slt.u32 s9, $0xF7A;
	s5 =	simm.s32 @!p2 $0x0  }
0x1d: {  	s5 =	simm.s32 @p1 $0x1;
	p0 =	seq.s32 s7, s2  }
0x1e: {  	s7 =	smul.u32 @!p0 $0xF7A, s2;
	p2 =	seq.s32 @!p0 s5, $0x0  }
0x1f: {  	s9 =	smul.u32 $0xF7A, s1;
	s8 =	simm.s32 @!p0 $0x1BF5;
	p2 =	por !p2, p0  }
0x20: {  	[sflag:s8] =	ssyncset.s32 @!p0 $0xFFFFF086;
	s6 =	sadd.s32 @!p0 s3, s7;
	s7 =	simm.s32 @!p0 $0x108  }
0x21: {  	s3 =	sadd.s32 s3, s9;
	s6 =	sadd.s32 @!p0 $0x88, s6;
	s7 =	simm.s32 @p2 $0x1082  }
0x22: {  	[simem:s7], [sflag:s8] =	dma.local @!p0 [hbm:s6], $0xF7A  }
0x23: {  	s9 =	sor.u32 $0xD0000000, s2;
	s6 =	simm.s32 $0x108;
	_ =	swait.ge @!p0 [sflag:s8], $0x0  }
0x24: {  	s3 =	sadd.s32 $0x88, s3;
	s6 =	simm.s32 @!p1 $0x1082;
	[sflag:s4] =	ssyncset.s32 $0xFFFFF086  }
0x25: {  	[simem:s6], [sflag:s4] =	dma.local [hbm:s3], $0xF7A  }
0x26: {  	[smem:$0x3F9A] =	sst s1;
	(tag) =	ssettag s2;
	_ =	strace s9  }
0x27: {  	s1 =	sld [smem:$0x3FAA]  }
0x28: {  	s2 =	sld [smem:$0x3FAB]  }
0x29: {  	s4 =	sld [smem:$0x3FAD]  }
0x2a: {  	p0 =	seq.s32 s5, $0x0;
	s5 =	sld [smem:$0x3FAE]  }
0x2b: {  	s6 =	sld [smem:$0x3FAF]  }
0x2c: {  	s7 =	sld [smem:$0x3FB0]  }
0x2d: {  	s3 =	simm.s32 $0x108;
	s8 =	sld [smem:$0x3FB1]  }
0x2e: {  	s3 =	simm.s32 @!p0 $0x1082;
	s9 =	sld [smem:$0x3FB2]  }
0x2f: {  	lr =	sadd.s32 s0, s3;
	s0 =	sld [smem:$0x3FA9]  }
0x30: {  	s3 =	sld [smem:$0x3FAC]  }
0x31: {  	[smem:$0x3FB5] =	sst s10  }
0x32: {  	s10 =	sld [smem:$0x3FB3];
	_ =	sdelay $0x3  }
0x33: {  	p0 =	seq.s32 s10, $0x1;
	s10 =	sld [smem:$0x3FB5];
	_ =	sdelay $0x3  }
0x34: {  	[smem:$0x3FB5] =	sst s10  }
0x35: {  	s10 =	sld [smem:$0x3FB4];
	_ =	sdelay $0x3  }
0x36: {  	p1 =	seq.s32 s10, $0x1;
	s10 =	sld [smem:$0x3FB5];
	_ =	sdelay $0x3  }
0x37: {  	[smem:$0x3FB5] =	sst s10  }
0x38: {  	s10 =	sld [smem:$0x3FB6]  }
0x39: {  	_ = 	snop;
	(pc) =	sbr.ind lr, $3  }
0x3a: {  	_ = 	snop  }
0x3b: {  	_ = 	snop  }
0x3c: {  	p2 =	seq.s32 s10, $0x1;
	s10 =	sld [smem:$0x3FB5]  }
0x3d: {  	_ =	shalt  }
0x3e: {  	_ =	shalt  }
0x3f: {  	_ =	shalt  }
0x40: {  	_ =	shalt  }
0x41: {  	_ =	shalt  }
0x42: {  	_ =	shalt  }
0x43: {  	_ =	shalt  }
0x44: {  	_ =	shalt  }
0x45: {  	_ =	shalt  }
0x46: {  	_ =	shalt  }
0x47: {  	_ =	shalt  }
0x48: {  	_ =	shalt  }
0x49: {  	_ =	shalt  }
0x4a: {  	_ =	shalt  }
0x4b: {  	_ =	shalt  }
0x4c: {  	_ =	shalt  }
0x4d: {  	_ =	shalt  }
0x4e: {  	_ =	shalt  }
0x4f: {  	_ =	shalt  }
0x50: {  	_ =	shalt  }
0x51: {  	_ =	shalt  }
0x52: {  	_ =	shalt  }
0x53: {  	_ =	shalt  }
0x54: {  	_ =	shalt  }
0x55: {  	_ =	shalt  }
0x56: {  	_ =	shalt  }
0x57: {  	_ =	shalt  }
0x58: {  	_ =	shalt  }
0x59: {  	_ =	shalt  }
0x5a: {  	_ =	shalt  }
0x5b: {  	_ =	shalt  }
0x5c: {  	_ =	shalt  }
0x5d: {  	_ =	shalt  }
0x5e: {  	_ =	shalt  }
0x5f: {  	_ =	shalt  }
0x60: {  	_ =	shalt  }
0x61: {  	_ =	shalt  }
0x62: {  	_ =	shalt  }
0x63: {  	_ =	shalt  }
0x64: {  	_ =	shalt  }
0x65: {  	_ =	shalt  }
0x66: {  	_ =	shalt  }
0x67: {  	_ =	shalt  }
0x68: {  	_ =	shalt  }
0x69: {  	_ =	shalt  }
0x6a: {  	_ =	shalt  }
0x6b: {  	_ =	shalt  }
0x6c: {  	_ =	shalt  }
0x6d: {  	_ =	shalt  }
0x6e: {  	_ =	shalt  }
0x6f: {  	_ =	shalt  }
0x70: {  	_ =	shalt  }
0x71: {  	_ =	shalt  }
0x72: {  	_ =	shalt  }
0x73: {  	_ =	shalt  }
0x74: {  	_ =	shalt  }
0x75: {  	_ =	shalt  }
0x76: {  	_ =	shalt  }
0x77: {  	_ =	shalt  }
0x78: {  	_ =	shalt  }
0x79: {  	_ =	shalt  }
0x7a: {  	_ =	shalt  }
0x7b: {  	_ =	shalt  }
0x7c: {  	_ =	shalt  }
0x7d: {  	_ =	shalt  }
0x7e: {  	_ =	shalt  }
0x7f: {  	_ =	shalt  }
0x80: {  	_ =	shalt  }
0x81: {  	_ =	shalt  }
0x82: {  	_ =	shalt  }
0x83: {  	_ =	shalt  }
0x84: {  	_ =	shalt  }
0x85: {  	_ =	shalt  }
0x86: {  	_ =	shalt  }
0x87: {  	_ =	shalt  }
.Lfunc_end0:
.L_simem_size_0:
called_computation_lowered:
.L_overlay_start_0:
0x88: {  	s2 =	sld [smem:$0x3FD9]  }
0x89: {  	s3 =	sld [smem:$0x3FFE];
	_ =	sdelay $0x1  }
0x8a: {  	s1 =	srdreg.scid  }
0x8b: {  	s0 =	sand.u32 $0x1, s1  }
0x8c: {  	s17 =	sshll.u32 s0, $0xA;
	s2 =	sadd.s32 s3, s2  }
0x8d: {  	s2 =	sadd.s32 s2, s17  }
0x8e: {  	[smem:$0x3FC1] =	sst s2  }
0x8f: {  	_ = 	snop  }
0x90: {  	s2 =	sld [smem:$0x3FC9];
	(tm) =	ssettm $0x1  }
0x91: {  	s18 =	sld [smem:$0x3FFB];
	_ =	sdelay $0x3  }
0x92: {  	_ =	strace s18  }
0x93: {  	s3 =	sld [smem:$0x3FFC];
	_ =	sdelay $0x3  }
0x94: {  	_ =	strace s3  }
0x95: {  	s3 =	sld [smem:$0x3FFD];
	_ =	sdelay $0x3  }
0x96: {  	_ =	strace s3  }
0x97: {  	_ =	strace $0x8FFFFFFF  }
0x98: {  	s19 =	sld [smem:$0x3FDB];
	_ =	sdelay $0x1  }
0x99: {  	s4 =	simm.s32 $_scs_section_size  }
0x9a: {  	s5 =	simm.s32 $_size__tile_overlayer_lowered;
	s6 =	simm.s32 $_tile_overlayer_lowered  }
0x9b: {  	s22 =	simm.s32 $0x1BFF;
	s21 =	sshll.u32 s6, $0x1;
	s3 =	sadd.s32 s4, s19  }
0x9c: {  	s7 =	simm.s32 $0x0;
	s20 =	sshll.u32 s5, $0x1;
	s5 =	sadd.s32 s21, s3  }
0x9d: {  	[timem:s7], [sflag:s22] =	dma.local [hbm:s5], s20  }
0x9e: {  	_ =	swait.ge [sflag:s22], s20  }
0x9f: {  	s4 =	ssub.s32 $0x0, s20;
	[sflag:s22] =	ssyncset.done $0x0  }
0xa0: {  	[sflag:s22] =	ssyncadd.s32 s4;
	_ =	sdelay $0x1  }
0xa1: {  	s23 =	simm.s32 $0x1B8B  }
0xa2: {  	_ =	swait.ge [sflag:s23], $0x1  }
0xa3: {  	[sflag:s23] =	ssyncset.done $0x0  }
0xa4: {  	s25 =	simm.s32 $0x1B8E;
	s24 =	sld [smem:$0x3FFE];
	[sflag:s23] =	ssyncadd.s32 $0xFFFFFFFF  }
0xa5: {  	s26 =	simm.s32 $execute0_lowered;
	[smem:$0x3FD2] =	sst s25  }
0xa6: {  	s5 =	sshll.u32 s26, $0x1;
	_ =	strace $0x80000046;
	[dreg:$0x1] =	wrdreg $0xFFFFFFFF  }
0xa7: {  	s28 =	simm.s32 $_size_execute0_lowered;
	s3 =	sadd.s32 s3, s5;
	[dreg:$0x0] =	wrdreg $0x0  }
0xa8: {  	s5 =	sshll.u32 s28, $0x1;
	[dreg:$0x2] =	wrdreg s3  }
0xa9: {  	[dreg:$0x3] =	wrdreg s5  }
0xaa: {  	[dreg:$0x4] =	wrdreg $0xC0  }
0xab: {  	_ =	task [dreg:s7], $0x5FFFF  }
0xac: {  	[dreg:$0x1] =	wrdreg $0xFFFFFFFF  }
0xad: {  	[dreg:$0x0] =	wrdreg $0x60  }
0xae: {  	[dreg:$0x2] =	wrdreg s24  }
0xaf: {  	[dreg:$0x3] =	wrdreg s2  }
0xb0: {  	[dreg:$0x4] =	wrdreg $0x9  }
0xb1: {  	_ =	task.clear_ibuf [dreg:s7], $0x5FFFF;
	_ =	strace $0x90000046  }
0xb2: {  	s29 =	simm.s32 $0x9;
	_ =	strace $0x80000048  }
0xb3: {  	_ =	swait.ge [sflag:s29], $0x1  }
0xb4: {  	[sflag:s29] =	ssyncadd.s32 $0xFFFFFFFF  }
0xb5: {  	_ =	strace $0x90000048  }
0xb6: {  	_ =	sfence  }
0xb7: {  	s30 =	sld [smem:$0x0];
	_ =	sdelay $0x2  }
0xb8: {  	s31 =	sshll.u32 s1, $0xD;
	s1 =	sshrl.u32 s1, $0x2  }
0xb9: {  	s3 =	sand.u32 $0x4000, s31;
	s1 =	sadd.s32 s1, s30  }
0xba: {  	s0 =	sor.u32 s3, s0;
	s1 =	sshll.u32 s1, $0x11  }
0xbb: {  	s0 =	sor.u32 s1, s0  }
0xbc: {  	s0 =	sadd.s32 $0x8F2B, s0  }
0xbd: {  	[sflag:s0] =	ssyncadd.remote.s32 $0x1  }
0xbe: {  	_ =	sfence.sel $0xFFFF  }
0xbf: {  	[dreg:$0x0] =	wrdreg $0xFFFFFFFF;
	(pc) =	sbr.abs _section_cstart, $3  }
0xc0: {  	[dreg:$0x1] =	wrdreg $0xFFFFFFFF  }
0xc1: {  	_ =	task.clear_ibuf [dreg:s7], $0x2FFFF;
	_ =	strace $0x9FFFFFFF  }
0xc2: {  	(tm) =	ssettm $0x7FFFFFFF  }
0xc3: {  	_ =	shalt  }
tec
execute0_lowered:
.L_overlay_start_1:
0x0: {  	(tag) =	ssettag $0x1  }
0x1: {  	s0 =	rddreg [dreg:$0x0]  }
0x2: {  	s1 =	rddreg [dreg:$0x1]  }
0x3: {  	s2 =	srdreg.scid;
	s3 =	stileid.u32  }
0x4: {  	s24 =	simm.s32 $0x80;
	s25 =	simm.s32 $0x100;
	s26 =	simm.s32 $0x180  }
0x5: {  	s12 =	simm.s32 $0x7;
	s11 =	simm.s32 $0xE200;
	s14 =	simm.s32 $0xEA00  }
0x6: {  	s15 =	simm.s32 $0xF200;
	s16 =	simm.s32 $0xFA00;
	s17 =	simm.s32 $0x10200  }
0x7: {  	s28 =	simm.s32 $0x14A00;
	s29 =	simm.s32 $0x15200;
	s30 =	simm.s32 $0x15A00  }
0x8: {  	s31 =	simm.s32 $0x16200;
	s4 =	sand.u32 $0x1, s2;
	s2 =	simm.s32 $0x0  }
0x9: {  	s3 =	sshll.u32 s3, $0x6;
	s6 =	sadd.s32 $0x1200, s0;
	[smem:$0x7FF] =	sst s2  }
0xa: {  	s5 =	sshll.u32 s4, $0x5;
	_ =	strace $0x80000047;
	[dreg:$0xb] =	wrdreg s24  }
0xb: {  	s4 =	ssub.s32 $0x2, s4;
	s5 =	sor.u32 s5, s3;
	[dreg:$0xc] =	wrdreg s25  }
0xc: {  	s23 =	sshrl.u32 s4, $0x1;
	[dreg:$0xd] =	wrdreg s26;
	s25 =	simm.s32 $0x13A00  }
0xd: {  	s26 =	simm.s32 $0x14200;
	s3 =	sadd.s32 s6, s5;
	s7 =	sor.u32 $0x8, s5  }
0xe: {  	s18 =	sor.u32 $0x10, s5;
	s10 =	sor.u32 $0x18, s5;
	s5 =	smul.u32 $0x300, s5  }
0xf: {  	[dreg:$0x3] =	wrdreg s3;
	s8 =	sadd.s32 s6, s7;
	s7 =	smul.u32 $0x300, s7  }
0x10: {  	s3 =	sadd.s32 $0x1600, s0;
	s9 =	sadd.s32 s6, s18;
	s19 =	smul.u32 $0x300, s18  }
0x11: {  	s6 =	sadd.s32 s6, s10;
	s21 =	smul.u32 $0x300, s10;
	[dreg:$0x4] =	wrdreg s8  }
0x12: {  	s10 =	simm.s32 $0xDA00;
	s18 =	simm.s32 $0x10A00;
	[dreg:$0x5] =	wrdreg s9  }
0x13: {  	[dreg:$0x6] =	wrdreg s6;
	s5 =	sadd.s32 s1, s5;
	s6 =	ssub.s32 s4, s23  }
0x14: {  	s4 =	sadd.s32 $0x1700, s0;
	s9 =	simm.s32 $0xC200;
	[dreg:$0x7] =	wrdreg s5  }
0x15: {  	s20 =	sadd.s32 s1, s7;
	s22 =	sadd.s32 s1, s19;
	s1 =	sadd.s32 s1, s21  }
0x16: {  	v2 =	vlaneseq.u32;
	s5 =	sadd.s32 $0x1800, s0;
	s6 =	smax.u32 s6, $0x1;
	[dreg:$0x8] =	wrdreg s20  }
0x17: {  	vm0 =	vmmov $0xffff;
	v1 =	vshrl.u32 v2, $0x3;
	s7 =	simm.s32 $0xD200;
	s19 =	simm.s32 $0x11200;
	[dreg:$0x9] =	wrdreg s22  }
0x18: {  	v0 =	vand.u32 $0x7, v2;
	v2 =	vor.u32 $0x8, v2;
	v1 =	vmul.u32 $0x8, v1;
	[dreg:$0xa] =	wrdreg s1;
	s1 =	simm.s32 $0xCA00;
	s20 =	simm.s32 $0x11A00  }
.LBB2_1:
0x19: {  	s21 =	rddreg [dreg:$0x3]  }
0x1a: {  	s22 =	rddreg [dreg:$0x4]  }
0x1b: {  	s23 =	rddreg [dreg:$0xb]  }
0x1c: {  	s0 =	rddreg [dreg:$0x5]  }
0x1d: {  	[tilespmem:s2], [sflag:$0x1] =	stream.linear.gather [hbm4b:s21+s2], $0x40, $0x38;
	[tilespmem:$0x18200] =	vst v63  }
0x1e: {  	s8 =	rddreg [dreg:$0xc]  }
0x1f: {  	[tilespmem:s23], [sflag:$0x2] =	stream.linear.gather [hbm4b:s22+s2], $0x40, $0x38;
	[tilespmem:$0x18200] =	vst v63  }
0x20: {  	s13 =	rddreg [dreg:$0x6]  }
0x21: {  	[tilespmem:s8], [sflag:$0x3] =	stream.linear.gather [hbm4b:s0+s2], $0x40, $0x38;
	[tilespmem:$0x18200] =	vst v63  }
0x22: {  	s24 =	rddreg [dreg:$0xd]  }
0x23: {  	[tilespmem:s24], [sflag:$0x4] =	stream.linear.gather [hbm4b:s13+s2], $0x40, $0x38;
	[tilespmem:$0x18200] =	vst v63  }
0x24: {  	s22 =	rddreg [dreg:$0x7];
	s8 =	simm.s32 $0x200  }
0x25: {  	[tilespmem:s8], [sflag:$0x5] =	stream.linear.gather [hbm4b:s22+s2], $0xC000, $0x38;
	[tilespmem:$0x18200] =	vst v63  }
0x26: {  	s23 =	rddreg [dreg:$0x8];
	s13 =	simm.s32 $0x5  }
0x27: {  	[tilespmem:s9], [sflag:$0x6] =	stream.linear.gather [hbm4b:s23+s2], $0xC000, $0x38;
	[tilespmem:$0x18200] =	vst v63  }
0x28: {  	_ =	swait.ge [sflag:s13], $0xC000  }
0x29: {  	[sflag:s13] =	ssyncset.done $0x0  }
0x2a: {  	s0 =	simm.s32 $0x1;
	[sflag:s13] =	ssyncadd.s32 $0xFFFF4000  }
0x2b: {  	_ =	swait.ge [sflag:s0], $0x40  }
0x2c: {  	[sflag:s0] =	ssyncset.done $0x0  }
0x2d: {  	[sflag:s0] =	ssyncadd.s32 $0xFFFFFFC0  }
0x2e: {  	v3 =	vld [tilespmem:$0x0];
	_ =	sdelay $0x4  }
0x2f: {  	v4 =	vshrl.u32 v3, $0x3  }
0x30: {  	v4 =	vmul.u32 $0x30, v4  }
0x31: {  	v3 =	vand.u32 $0x7, v3  }
0x32: {  	v3 =	vor.u32 v3, v4  }
0x33: {  	v4 =	vperm.xlane v3, v0;
	_ =	sdelay $0x1  }
0x34: {  	v4 =	vadd.s32 v1, v4;
	_ =	sdelay $0x3  }
0x35: {  	v3 =	vperm.xlane v3, v2  }
0x36: {  	[hbm4b:s3+s2] =	stream.indirect_vreg.scatter [tilespmem:s8], [sflag:$0x7], $0x80, v4, vm0, $0xb8;
	[tilespmem:$0x18200] =	vst v63  }
0x37: {  	s24 =	simm.s32 $0xA00;
	v3 =	vadd.s32 v1, v3  }
0x38: {  	[hbm4b:s4+s2] =	stream.indirect_vreg.scatter [tilespmem:s24], [sflag:$0x7], $0x80, v4, vm0, $0xb8;
	[tilespmem:$0x18200] =	vst v63  }
0x39: {  	s21 =	simm.s32 $0x1200  }
0x3a: {  	[hbm4b:s5+s2] =	stream.indirect_vreg.scatter [tilespmem:s21], [sflag:$0x7], $0x80, v4, vm0, $0xb8;
	[tilespmem:$0x18200] =	vst v63  }
0x3b: {  	s22 =	simm.s32 $0x1A00  }
0x3c: {  	[hbm4b:s3+s2] =	stream.indirect_vreg.scatter [tilespmem:s22], [sflag:$0x7], $0x80, v3, vm0, $0xb8;
	[tilespmem:$0x18200] =	vst v63  }
0x3d: {  	s23 =	simm.s32 $0x2200  }
0x3e: {  	[hbm4b:s4+s2] =	stream.indirect_vreg.scatter [tilespmem:s23], [sflag:$0x7], $0x80, v3, vm0, $0xb8;
	[tilespmem:$0x18200] =	vst v63  }
0x3f: {  	s24 =	simm.s32 $0x2A00  }
0x40: {  	[hbm4b:s5+s2] =	stream.indirect_vreg.scatter [tilespmem:s24], [sflag:$0x7], $0x80, v3, vm0, $0xb8;
	[tilespmem:$0x18200] =	vst v63  }
0x41: {  	v3 =	vld [tilespmem:$0x10];
	_ =	sdelay $0x4  }
0x42: {  	v49 =	vshrl.u32 v3, $0x3  }
0x43: {  	v4 =	vmul.u32 $0x30, v49  }
0x44: {  	v3 =	vand.u32 $0x7, v3  }
0x45: {  	v3 =	vor.u32 v3, v4  }
0x46: {  	v4 =	vperm.xlane v3, v0;
	_ =	sdelay $0x1  }
0x47: {  	v4 =	vadd.s32 v1, v4;
	_ =	sdelay $0x3  }
0x48: {  	s21 =	simm.s32 $0x3200;
	v3 =	vperm.xlane v3, v2  }
0x49: {  	[hbm4b:s3+s2] =	stream.indirect_vreg.scatter [tilespmem:s21], [sflag:$0x7], $0x80, v4, vm0, $0xb8;
	[tilespmem:$0x18200] =	vst v63  }
0x4a: {  	s22 =	simm.s32 $0x3A00;
	v3 =	vadd.s32 v1, v3  }
0x4b: {  	[hbm4b:s4+s2] =	stream.indirect_vreg.scatter [tilespmem:s22], [sflag:$0x7], $0x80, v4, vm0, $0xb8;
	[tilespmem:$0x18200] =	vst v63  }
0x4c: {  	s23 =	simm.s32 $0x4200  }
0x4d: {  	[hbm4b:s5+s2] =	stream.indirect_vreg.scatter [tilespmem:s23], [sflag:$0x7], $0x80, v4, vm0, $0xb8;
	[tilespmem:$0x18200] =	vst v63  }
0x4e: {  	s24 =	simm.s32 $0x4A00  }
0x4f: {  	[hbm4b:s3+s2] =	stream.indirect_vreg.scatter [tilespmem:s24], [sflag:$0x7], $0x80, v3, vm0, $0xb8;
	[tilespmem:$0x18200] =	vst v63  }
0x50: {  	s21 =	simm.s32 $0x5200  }
0x51: {  	[hbm4b:s4+s2] =	stream.indirect_vreg.scatter [tilespmem:s21], [sflag:$0x7], $0x80, v3, vm0, $0xb8;
	[tilespmem:$0x18200] =	vst v63  }
0x52: {  	s22 =	simm.s32 $0x5A00  }
0x53: {  	[hbm4b:s5+s2] =	stream.indirect_vreg.scatter [tilespmem:s22], [sflag:$0x7], $0x80, v3, vm0, $0xb8;
	[tilespmem:$0x18200] =	vst v63  }
0x54: {  	v3 =	vld [tilespmem:$0x20];
	_ =	sdelay $0x4  }
0x55: {  	v50 =	vshrl.u32 v3, $0x3  }
0x56: {  	v4 =	vmul.u32 $0x30, v50  }
0x57: {  	v3 =	vand.u32 $0x7, v3  }
0x58: {  	v3 =	vor.u32 v3, v4  }
0x59: {  	v4 =	vperm.xlane v3, v0;
	_ =	sdelay $0x1  }
0x5a: {  	v4 =	vadd.s32 v1, v4;
	_ =	sdelay $0x3  }
0x5b: {  	s23 =	simm.s32 $0x6200;
	v3 =	vperm.xlane v3, v2  }
0x5c: {  	[hbm4b:s3+s2] =	stream.indirect_vreg.scatter [tilespmem:s23], [sflag:$0x7], $0x80, v4, vm0, $0xb8;
	[tilespmem:$0x18200] =	vst v63  }
0x5d: {  	s24 =	simm.s32 $0x6A00;
	v3 =	vadd.s32 v1, v3  }
0x5e: {  	[hbm4b:s4+s2] =	stream.indirect_vreg.scatter [tilespmem:s24], [sflag:$0x7], $0x80, v4, vm0, $0xb8;
	[tilespmem:$0x18200] =	vst v63  }
0x5f: {  	s21 =	simm.s32 $0x7200  }
0x60: {  	[hbm4b:s5+s2] =	stream.indirect_vreg.scatter [tilespmem:s21], [sflag:$0x7], $0x80, v4, vm0, $0xb8;
	[tilespmem:$0x18200] =	vst v63  }
0x61: {  	s22 =	simm.s32 $0x7A00  }
0x62: {  	[hbm4b:s3+s2] =	stream.indirect_vreg.scatter [tilespmem:s22], [sflag:$0x7], $0x80, v3, vm0, $0xb8;
	[tilespmem:$0x18200] =	vst v63  }
0x63: {  	s23 =	simm.s32 $0x8200  }
0x64: {  	[hbm4b:s4+s2] =	stream.indirect_vreg.scatter [tilespmem:s23], [sflag:$0x7], $0x80, v3, vm0, $0xb8;
	[tilespmem:$0x18200] =	vst v63  }
0x65: {  	s24 =	simm.s32 $0x8A00  }
0x66: {  	[hbm4b:s5+s2] =	stream.indirect_vreg.scatter [tilespmem:s24], [sflag:$0x7], $0x80, v3, vm0, $0xb8;
	[tilespmem:$0x18200] =	vst v63  }
0x67: {  	v3 =	vld [tilespmem:$0x30];
	_ =	sdelay $0x4  }
0x68: {  	v51 =	vshrl.u32 v3, $0x3  }
0x69: {  	v4 =	vmul.u32 $0x30, v51  }
0x6a: {  	v3 =	vand.u32 $0x7, v3  }
0x6b: {  	v3 =	vor.u32 v3, v4  }
0x6c: {  	v4 =	vperm.xlane v3, v0;
	_ =	sdelay $0x1  }
0x6d: {  	v4 =	vadd.s32 v1, v4;
	_ =	sdelay $0x3  }
0x6e: {  	s21 =	simm.s32 $0x9200;
	v3 =	vperm.xlane v3, v2  }
0x6f: {  	[hbm4b:s3+s2] =	stream.indirect_vreg.scatter [tilespmem:s21], [sflag:$0x7], $0x80, v4, vm0, $0xb8;
	[tilespmem:$0x18200] =	vst v63  }
0x70: {  	s22 =	simm.s32 $0x9A00;
	v3 =	vadd.s32 v1, v3  }
0x71: {  	[hbm4b:s4+s2] =	stream.indirect_vreg.scatter [tilespmem:s22], [sflag:$0x7], $0x80, v4, vm0, $0xb8;
	[tilespmem:$0x18200] =	vst v63  }
0x72: {  	s23 =	simm.s32 $0xA200  }
0x73: {  	[hbm4b:s5+s2] =	stream.indirect_vreg.scatter [tilespmem:s23], [sflag:$0x7], $0x80, v4, vm0, $0xb8;
	[tilespmem:$0x18200] =	vst v63  }
0x74: {  	s24 =	simm.s32 $0xAA00  }
0x75: {  	[hbm4b:s3+s2] =	stream.indirect_vreg.scatter [tilespmem:s24], [sflag:$0x7], $0x80, v3, vm0, $0xb8;
	[tilespmem:$0x18200] =	vst v63  }
0x76: {  	s21 =	simm.s32 $0xB200  }
0x77: {  	[hbm4b:s4+s2] =	stream.indirect_vreg.scatter [tilespmem:s21], [sflag:$0x7], $0x80, v3, vm0, $0xb8;
	[tilespmem:$0x18200] =	vst v63  }
0x78: {  	s22 =	simm.s32 $0xBA00  }
0x79: {  	[hbm4b:s5+s2] =	stream.indirect_vreg.scatter [tilespmem:s22], [sflag:$0x7], $0x80, v3, vm0, $0xb8;
	[tilespmem:$0x18200] =	vst v63  }
0x7a: {  	_ =	swait.ge [sflag:s12], $0xC000  }
0x7b: {  	[sflag:s12] =	ssyncset.done $0x0  }
0x7c: {  	s0 =	simm.s32 $0x6;
	s23 =	rddreg [dreg:$0x9];
	[sflag:s12] =	ssyncadd.s32 $0xFFFF4000  }
0x7d: {  	[tilespmem:s8], [sflag:$0x5] =	stream.linear.gather [hbm4b:s23+s2], $0xC000, $0x38;
	[tilespmem:$0x18200] =	vst v63  }
0x7e: {  	_ =	swait.ge [sflag:s0], $0xC000  }
0x7f: {  	[sflag:s0] =	ssyncset.done $0x0  }
0x80: {  	s24 =	simm.s32 $0x2;
	[sflag:s0] =	ssyncadd.s32 $0xFFFF4000  }
0x81: {  	_ =	swait.ge [sflag:s24], $0x40  }
0x82: {  	[sflag:s24] =	ssyncset.done $0x0  }
0x83: {  	[sflag:s24] =	ssyncadd.s32 $0xFFFFFFC0  }
0x84: {  	v3 =	vld [tilespmem:$0x80];
	_ =	sdelay $0x4  }
0x85: {  	v52 =	vshrl.u32 v3, $0x3  }
0x86: {  	v4 =	vmul.u32 $0x30, v52  }
0x87: {  	v3 =	vand.u32 $0x7, v3  }
0x88: {  	v3 =	vor.u32 v3, v4  }
0x89: {  	v4 =	vperm.xlane v3, v0;
	_ =	sdelay $0x1  }
0x8a: {  	v4 =	vadd.s32 v1, v4;
	_ =	sdelay $0x3  }
0x8b: {  	v3 =	vperm.xlane v3, v2  }
0x8c: {  	[hbm4b:s3+s2] =	stream.indirect_vreg.scatter [tilespmem:s9], [sflag:$0x7], $0x80, v4, vm0, $0xb8;
	[tilespmem:$0x18200] =	vst v63  }
0x8d: {  	v3 =	vadd.s32 v1, v3  }
0x8e: {  	[hbm4b:s4+s2] =	stream.indirect_vreg.scatter [tilespmem:s1], [sflag:$0x7], $0x80, v4, vm0, $0xb8;
	[tilespmem:$0x18200] =	vst v63  }
0x8f: {  	_ = 	snop  }
0x90: {  	[hbm4b:s5+s2] =	stream.indirect_vreg.scatter [tilespmem:s7], [sflag:$0x7], $0x80, v4, vm0, $0xb8;
	[tilespmem:$0x18200] =	vst v63  }
0x91: {  	_ = 	snop  }
0x92: {  	[hbm4b:s3+s2] =	stream.indirect_vreg.scatter [tilespmem:s10], [sflag:$0x7], $0x80, v3, vm0, $0xb8;
	[tilespmem:$0x18200] =	vst v63  }
0x93: {  	_ = 	snop  }
0x94: {  	[hbm4b:s4+s2] =	stream.indirect_vreg.scatter [tilespmem:s11], [sflag:$0x7], $0x80, v3, vm0, $0xb8;
	[tilespmem:$0x18200] =	vst v63  }
0x95: {  	_ = 	snop  }
0x96: {  	[hbm4b:s5+s2] =	stream.indirect_vreg.scatter [tilespmem:s14], [sflag:$0x7], $0x80, v3, vm0, $0xb8;
	[tilespmem:$0x18200] =	vst v63  }
0x97: {  	v3 =	vld [tilespmem:$0x90];
	_ =	sdelay $0x4  }
0x98: {  	v53 =	vshrl.u32 v3, $0x3  }
0x99: {  	v4 =	vmul.u32 $0x30, v53  }
0x9a: {  	v3 =	vand.u32 $0x7, v3  }
0x9b: {  	v3 =	vor.u32 v3, v4  }
0x9c: {  	v4 =	vperm.xlane v3, v0;
	_ =	sdelay $0x1  }
0x9d: {  	v4 =	vadd.s32 v1, v4;
	_ =	sdelay $0x3  }
0x9e: {  	v3 =	vperm.xlane v3, v2  }
0x9f: {  	[hbm4b:s3+s2] =	stream.indirect_vreg.scatter [tilespmem:s15], [sflag:$0x7], $0x80, v4, vm0, $0xb8;
	[tilespmem:$0x18200] =	vst v63  }
0xa0: {  	v3 =	vadd.s32 v1, v3  }
0xa1: {  	[hbm4b:s4+s2] =	stream.indirect_vreg.scatter [tilespmem:s16], [sflag:$0x7], $0x80, v4, vm0, $0xb8;
	[tilespmem:$0x18200] =	vst v63  }
0xa2: {  	_ = 	snop  }
0xa3: {  	[hbm4b:s5+s2] =	stream.indirect_vreg.scatter [tilespmem:s17], [sflag:$0x7], $0x80, v4, vm0, $0xb8;
	[tilespmem:$0x18200] =	vst v63  }
0xa4: {  	_ = 	snop  }
0xa5: {  	[hbm4b:s3+s2] =	stream.indirect_vreg.scatter [tilespmem:s18], [sflag:$0x7], $0x80, v3, vm0, $0xb8;
	[tilespmem:$0x18200] =	vst v63  }
0xa6: {  	_ = 	snop  }
0xa7: {  	[hbm4b:s4+s2] =	stream.indirect_vreg.scatter [tilespmem:s19], [sflag:$0x7], $0x80, v3, vm0, $0xb8;
	[tilespmem:$0x18200] =	vst v63  }
0xa8: {  	_ = 	snop  }
0xa9: {  	[hbm4b:s5+s2] =	stream.indirect_vreg.scatter [tilespmem:s20], [sflag:$0x7], $0x80, v3, vm0, $0xb8;
	[tilespmem:$0x18200] =	vst v63  }
0xaa: {  	v3 =	vld [tilespmem:$0xA0];
	_ =	sdelay $0x4  }
0xab: {  	v54 =	vshrl.u32 v3, $0x3  }
0xac: {  	v4 =	vmul.u32 $0x30, v54  }
0xad: {  	v3 =	vand.u32 $0x7, v3  }
0xae: {  	v3 =	vor.u32 v3, v4  }
0xaf: {  	v4 =	vperm.xlane v3, v0;
	_ =	sdelay $0x1  }
0xb0: {  	v4 =	vadd.s32 v1, v4;
	_ =	sdelay $0x3  }
0xb1: {  	s22 =	simm.s32 $0x12200;
	v3 =	vperm.xlane v3, v2  }
0xb2: {  	[hbm4b:s3+s2] =	stream.indirect_vreg.scatter [tilespmem:s22], [sflag:$0x7], $0x80, v4, vm0, $0xb8;
	[tilespmem:$0x18200] =	vst v63  }
0xb3: {  	s23 =	simm.s32 $0x12A00;
	v3 =	vadd.s32 v1, v3  }
0xb4: {  	[hbm4b:s4+s2] =	stream.indirect_vreg.scatter [tilespmem:s23], [sflag:$0x7], $0x80, v4, vm0, $0xb8;
	[tilespmem:$0x18200] =	vst v63  }
0xb5: {  	s24 =	simm.s32 $0x13200  }
0xb6: {  	[hbm4b:s5+s2] =	stream.indirect_vreg.scatter [tilespmem:s24], [sflag:$0x7], $0x80, v4, vm0, $0xb8;
	[tilespmem:$0x18200] =	vst v63  }
0xb7: {  	_ = 	snop  }
0xb8: {  	[hbm4b:s3+s2] =	stream.indirect_vreg.scatter [tilespmem:s25], [sflag:$0x7], $0x80, v3, vm0, $0xb8;
	[tilespmem:$0x18200] =	vst v63  }
0xb9: {  	_ = 	snop  }
0xba: {  	[hbm4b:s4+s2] =	stream.indirect_vreg.scatter [tilespmem:s26], [sflag:$0x7], $0x80, v3, vm0, $0xb8;
	[tilespmem:$0x18200] =	vst v63  }
0xbb: {  	_ = 	snop  }
0xbc: {  	[hbm4b:s5+s2] =	stream.indirect_vreg.scatter [tilespmem:s28], [sflag:$0x7], $0x80, v3, vm0, $0xb8;
	[tilespmem:$0x18200] =	vst v63  }
0xbd: {  	v3 =	vld [tilespmem:$0xB0];
	_ =	sdelay $0x4  }
0xbe: {  	v55 =	vshrl.u32 v3, $0x3  }
0xbf: {  	v4 =	vmul.u32 $0x30, v55  }
0xc0: {  	v3 =	vand.u32 $0x7, v3  }
0xc1: {  	v3 =	vor.u32 v3, v4  }
0xc2: {  	v4 =	vperm.xlane v3, v0;
	_ =	sdelay $0x1  }
0xc3: {  	v4 =	vadd.s32 v1, v4;
	_ =	sdelay $0x3  }
0xc4: {  	v3 =	vperm.xlane v3, v2  }
0xc5: {  	[hbm4b:s3+s2] =	stream.indirect_vreg.scatter [tilespmem:s29], [sflag:$0x7], $0x80, v4, vm0, $0xb8;
	[tilespmem:$0x18200] =	vst v63  }
0xc6: {  	v3 =	vadd.s32 v1, v3  }
0xc7: {  	[hbm4b:s4+s2] =	stream.indirect_vreg.scatter [tilespmem:s30], [sflag:$0x7], $0x80, v4, vm0, $0xb8;
	[tilespmem:$0x18200] =	vst v63  }
0xc8: {  	_ = 	snop  }
0xc9: {  	[hbm4b:s5+s2] =	stream.indirect_vreg.scatter [tilespmem:s31], [sflag:$0x7], $0x80, v4, vm0, $0xb8;
	[tilespmem:$0x18200] =	vst v63  }
0xca: {  	s21 =	simm.s32 $0x16A00  }
0xcb: {  	[hbm4b:s3+s2] =	stream.indirect_vreg.scatter [tilespmem:s21], [sflag:$0x7], $0x80, v3, vm0, $0xb8;
	[tilespmem:$0x18200] =	vst v63  }
0xcc: {  	s21 =	simm.s32 $0x17200  }
0xcd: {  	[hbm4b:s4+s2] =	stream.indirect_vreg.scatter [tilespmem:s21], [sflag:$0x7], $0x80, v3, vm0, $0xb8;
	[tilespmem:$0x18200] =	vst v63  }
0xce: {  	s21 =	simm.s32 $0x17A00  }
0xcf: {  	[hbm4b:s5+s2] =	stream.indirect_vreg.scatter [tilespmem:s21], [sflag:$0x7], $0x80, v3, vm0, $0xb8;
	[tilespmem:$0x18200] =	vst v63  }
0xd0: {  	_ =	swait.ge [sflag:s12], $0xC000  }
0xd1: {  	[sflag:s12] =	ssyncset.done $0x0  }
0xd2: {  	s21 =	rddreg [dreg:$0xa];
	[sflag:s12] =	ssyncadd.s32 $0xFFFF4000  }
0xd3: {  	[tilespmem:s9], [sflag:$0x6] =	stream.linear.gather [hbm4b:s21+s2], $0xC000, $0x38;
	[tilespmem:$0x18200] =	vst v63  }
0xd4: {  	_ =	swait.ge [sflag:s13], $0xC000  }
0xd5: {  	[sflag:s13] =	ssyncset.done $0x0  }
0xd6: {  	s21 =	simm.s32 $0x3;
	[sflag:s13] =	ssyncadd.s32 $0xFFFF4000  }
0xd7: {  	_ =	swait.ge [sflag:s21], $0x40  }
0xd8: {  	[sflag:s21] =	ssyncset.done $0x0  }
0xd9: {  	[sflag:s21] =	ssyncadd.s32 $0xFFFFFFC0  }
0xda: {  	v3 =	vld [tilespmem:$0x100];
	_ =	sdelay $0x4  }
0xdb: {  	v56 =	vshrl.u32 v3, $0x3  }
0xdc: {  	v4 =	vmul.u32 $0x30, v56  }
0xdd: {  	v3 =	vand.u32 $0x7, v3  }
0xde: {  	v3 =	vor.u32 v3, v4  }
0xdf: {  	v4 =	vperm.xlane v3, v0;
	_ =	sdelay $0x1  }
0xe0: {  	v4 =	vadd.s32 v1, v4;
	_ =	sdelay $0x3  }
0xe1: {  	v3 =	vperm.xlane v3, v2  }
0xe2: {  	[hbm4b:s3+s2] =	stream.indirect_vreg.scatter [tilespmem:s8], [sflag:$0x7], $0x80, v4, vm0, $0xb8;
	[tilespmem:$0x18200] =	vst v63  }
0xe3: {  	s13 =	simm.s32 $0xA00;
	v3 =	vadd.s32 v1, v3  }
0xe4: {  	[hbm4b:s4+s2] =	stream.indirect_vreg.scatter [tilespmem:s13], [sflag:$0x7], $0x80, v4, vm0, $0xb8;
	[tilespmem:$0x18200] =	vst v63  }
0xe5: {  	s21 =	simm.s32 $0x1200  }
0xe6: {  	[hbm4b:s5+s2] =	stream.indirect_vreg.scatter [tilespmem:s21], [sflag:$0x7], $0x80, v4, vm0, $0xb8;
	[tilespmem:$0x18200] =	vst v63  }
0xe7: {  	s13 =	simm.s32 $0x1A00  }
0xe8: {  	[hbm4b:s3+s2] =	stream.indirect_vreg.scatter [tilespmem:s13], [sflag:$0x7], $0x80, v3, vm0, $0xb8;
	[tilespmem:$0x18200] =	vst v63  }
0xe9: {  	s21 =	simm.s32 $0x2200  }
0xea: {  	[hbm4b:s4+s2] =	stream.indirect_vreg.scatter [tilespmem:s21], [sflag:$0x7], $0x80, v3, vm0, $0xb8;
	[tilespmem:$0x18200] =	vst v63  }
0xeb: {  	s13 =	simm.s32 $0x2A00  }
0xec: {  	[hbm4b:s5+s2] =	stream.indirect_vreg.scatter [tilespmem:s13], [sflag:$0x7], $0x80, v3, vm0, $0xb8;
	[tilespmem:$0x18200] =	vst v63  }
0xed: {  	v3 =	vld [tilespmem:$0x110];
	_ =	sdelay $0x4  }
0xee: {  	v57 =	vshrl.u32 v3, $0x3  }
0xef: {  	v4 =	vmul.u32 $0x30, v57  }
0xf0: {  	v3 =	vand.u32 $0x7, v3  }
0xf1: {  	v3 =	vor.u32 v3, v4  }
0xf2: {  	v4 =	vperm.xlane v3, v0;
	_ =	sdelay $0x1  }
0xf3: {  	v4 =	vadd.s32 v1, v4;
	_ =	sdelay $0x3  }
0xf4: {  	s21 =	simm.s32 $0x3200;
	v3 =	vperm.xlane v3, v2  }
0xf5: {  	[hbm4b:s3+s2] =	stream.indirect_vreg.scatter [tilespmem:s21], [sflag:$0x7], $0x80, v4, vm0, $0xb8;
	[tilespmem:$0x18200] =	vst v63  }
0xf6: {  	s13 =	simm.s32 $0x3A00;
	v3 =	vadd.s32 v1, v3  }
0xf7: {  	[hbm4b:s4+s2] =	stream.indirect_vreg.scatter [tilespmem:s13], [sflag:$0x7], $0x80, v4, vm0, $0xb8;
	[tilespmem:$0x18200] =	vst v63  }
0xf8: {  	s21 =	simm.s32 $0x4200  }
0xf9: {  	[hbm4b:s5+s2] =	stream.indirect_vreg.scatter [tilespmem:s21], [sflag:$0x7], $0x80, v4, vm0, $0xb8;
	[tilespmem:$0x18200] =	vst v63  }
0xfa: {  	s13 =	simm.s32 $0x4A00  }
0xfb: {  	[hbm4b:s3+s2] =	stream.indirect_vreg.scatter [tilespmem:s13], [sflag:$0x7], $0x80, v3, vm0, $0xb8;
	[tilespmem:$0x18200] =	vst v63  }
0xfc: {  	s21 =	simm.s32 $0x5200  }
0xfd: {  	[hbm4b:s4+s2] =	stream.indirect_vreg.scatter [tilespmem:s21], [sflag:$0x7], $0x80, v3, vm0, $0xb8;
	[tilespmem:$0x18200] =	vst v63  }
0xfe: {  	s13 =	simm.s32 $0x5A00  }
0xff: {  	[hbm4b:s5+s2] =	stream.indirect_vreg.scatter [tilespmem:s13], [sflag:$0x7], $0x80, v3, vm0, $0xb8;
	[tilespmem:$0x18200] =	vst v63  }
0x100: {  	v3 =	vld [tilespmem:$0x120];
	_ =	sdelay $0x4  }
0x101: {  	v58 =	vshrl.u32 v3, $0x3  }
0x102: {  	v4 =	vmul.u32 $0x30, v58  }
0x103: {  	v3 =	vand.u32 $0x7, v3  }
0x104: {  	v3 =	vor.u32 v3, v4  }
0x105: {  	v4 =	vperm.xlane v3, v0;
	_ =	sdelay $0x1  }
0x106: {  	v4 =	vadd.s32 v1, v4;
	_ =	sdelay $0x3  }
0x107: {  	s21 =	simm.s32 $0x6200;
	v3 =	vperm.xlane v3, v2  }
0x108: {  	[hbm4b:s3+s2] =	stream.indirect_vreg.scatter [tilespmem:s21], [sflag:$0x7], $0x80, v4, vm0, $0xb8;
	[tilespmem:$0x18200] =	vst v63  }
0x109: {  	s13 =	simm.s32 $0x6A00;
	v3 =	vadd.s32 v1, v3  }
0x10a: {  	[hbm4b:s4+s2] =	stream.indirect_vreg.scatter [tilespmem:s13], [sflag:$0x7], $0x80, v4, vm0, $0xb8;
	[tilespmem:$0x18200] =	vst v63  }
0x10b: {  	s21 =	simm.s32 $0x7200  }
0x10c: {  	[hbm4b:s5+s2] =	stream.indirect_vreg.scatter [tilespmem:s21], [sflag:$0x7], $0x80, v4, vm0, $0xb8;
	[tilespmem:$0x18200] =	vst v63  }
0x10d: {  	s13 =	simm.s32 $0x7A00  }
0x10e: {  	[hbm4b:s3+s2] =	stream.indirect_vreg.scatter [tilespmem:s13], [sflag:$0x7], $0x80, v3, vm0, $0xb8;
	[tilespmem:$0x18200] =	vst v63  }
0x10f: {  	s21 =	simm.s32 $0x8200  }
0x110: {  	[hbm4b:s4+s2] =	stream.indirect_vreg.scatter [tilespmem:s21], [sflag:$0x7], $0x80, v3, vm0, $0xb8;
	[tilespmem:$0x18200] =	vst v63  }
0x111: {  	s13 =	simm.s32 $0x8A00  }
0x112: {  	[hbm4b:s5+s2] =	stream.indirect_vreg.scatter [tilespmem:s13], [sflag:$0x7], $0x80, v3, vm0, $0xb8;
	[tilespmem:$0x18200] =	vst v63  }
0x113: {  	v3 =	vld [tilespmem:$0x130];
	_ =	sdelay $0x4  }
0x114: {  	v59 =	vshrl.u32 v3, $0x3  }
0x115: {  	v4 =	vmul.u32 $0x30, v59  }
0x116: {  	v3 =	vand.u32 $0x7, v3  }
0x117: {  	v3 =	vor.u32 v3, v4  }
0x118: {  	v4 =	vperm.xlane v3, v0;
	_ =	sdelay $0x1  }
0x119: {  	v4 =	vadd.s32 v1, v4;
	_ =	sdelay $0x3  }
0x11a: {  	s21 =	simm.s32 $0x9200;
	v3 =	vperm.xlane v3, v2  }
0x11b: {  	[hbm4b:s3+s2] =	stream.indirect_vreg.scatter [tilespmem:s21], [sflag:$0x7], $0x80, v4, vm0, $0xb8;
	[tilespmem:$0x18200] =	vst v63  }
0x11c: {  	s13 =	simm.s32 $0x9A00;
	v3 =	vadd.s32 v1, v3  }
0x11d: {  	[hbm4b:s4+s2] =	stream.indirect_vreg.scatter [tilespmem:s13], [sflag:$0x7], $0x80, v4, vm0, $0xb8;
	[tilespmem:$0x18200] =	vst v63  }
0x11e: {  	s21 =	simm.s32 $0xA200  }
0x11f: {  	[hbm4b:s5+s2] =	stream.indirect_vreg.scatter [tilespmem:s21], [sflag:$0x7], $0x80, v4, vm0, $0xb8;
	[tilespmem:$0x18200] =	vst v63  }
0x120: {  	s13 =	simm.s32 $0xAA00  }
0x121: {  	[hbm4b:s3+s2] =	stream.indirect_vreg.scatter [tilespmem:s13], [sflag:$0x7], $0x80, v3, vm0, $0xb8;
	[tilespmem:$0x18200] =	vst v63  }
0x122: {  	s21 =	simm.s32 $0xB200  }
0x123: {  	[hbm4b:s4+s2] =	stream.indirect_vreg.scatter [tilespmem:s21], [sflag:$0x7], $0x80, v3, vm0, $0xb8;
	[tilespmem:$0x18200] =	vst v63  }
0x124: {  	s13 =	simm.s32 $0xBA00  }
0x125: {  	[hbm4b:s5+s2] =	stream.indirect_vreg.scatter [tilespmem:s13], [sflag:$0x7], $0x80, v3, vm0, $0xb8;
	[tilespmem:$0x18200] =	vst v63  }
0x126: {  	_ =	swait.ge [sflag:s12], $0xC000  }
0x127: {  	[sflag:s12] =	ssyncset.done $0x0  }
0x128: {  	[sflag:s12] =	ssyncadd.s32 $0xFFFF4000  }
0x129: {  	_ =	swait.ge [sflag:s0], $0xC000  }
0x12a: {  	[sflag:s0] =	ssyncset.done $0x0  }
0x12b: {  	s21 =	simm.s32 $0x4;
	[sflag:s0] =	ssyncadd.s32 $0xFFFF4000  }
0x12c: {  	_ =	swait.ge [sflag:s21], $0x40  }
0x12d: {  	[sflag:s21] =	ssyncset.done $0x0  }
0x12e: {  	[sflag:s21] =	ssyncadd.s32 $0xFFFFFFC0  }
0x12f: {  	v3 =	vld [tilespmem:$0x180];
	_ =	sdelay $0x4  }
0x130: {  	v60 =	vshrl.u32 v3, $0x3  }
0x131: {  	v4 =	vmul.u32 $0x30, v60  }
0x132: {  	v3 =	vand.u32 $0x7, v3  }
0x133: {  	v3 =	vor.u32 v3, v4  }
0x134: {  	v4 =	vperm.xlane v3, v0;
	_ =	sdelay $0x1  }
0x135: {  	v4 =	vadd.s32 v1, v4;
	_ =	sdelay $0x3  }
0x136: {  	v3 =	vperm.xlane v3, v2  }
0x137: {  	[hbm4b:s3+s2] =	stream.indirect_vreg.scatter [tilespmem:s9], [sflag:$0x7], $0x80, v4, vm0, $0xb8;
	[tilespmem:$0x18200] =	vst v63  }
0x138: {  	v3 =	vadd.s32 v1, v3  }
0x139: {  	[hbm4b:s4+s2] =	stream.indirect_vreg.scatter [tilespmem:s1], [sflag:$0x7], $0x80, v4, vm0, $0xb8;
	[tilespmem:$0x18200] =	vst v63  }
0x13a: {  	_ = 	snop  }
0x13b: {  	[hbm4b:s5+s2] =	stream.indirect_vreg.scatter [tilespmem:s7], [sflag:$0x7], $0x80, v4, vm0, $0xb8;
	[tilespmem:$0x18200] =	vst v63  }
0x13c: {  	_ = 	snop  }
0x13d: {  	[hbm4b:s3+s2] =	stream.indirect_vreg.scatter [tilespmem:s10], [sflag:$0x7], $0x80, v3, vm0, $0xb8;
	[tilespmem:$0x18200] =	vst v63  }
0x13e: {  	_ = 	snop  }
0x13f: {  	[hbm4b:s4+s2] =	stream.indirect_vreg.scatter [tilespmem:s11], [sflag:$0x7], $0x80, v3, vm0, $0xb8;
	[tilespmem:$0x18200] =	vst v63  }
0x140: {  	_ = 	snop  }
0x141: {  	[hbm4b:s5+s2] =	stream.indirect_vreg.scatter [tilespmem:s14], [sflag:$0x7], $0x80, v3, vm0, $0xb8;
	[tilespmem:$0x18200] =	vst v63  }
0x142: {  	v3 =	vld [tilespmem:$0x190];
	_ =	sdelay $0x4  }
0x143: {  	v61 =	vshrl.u32 v3, $0x3  }
0x144: {  	v4 =	vmul.u32 $0x30, v61  }
0x145: {  	v3 =	vand.u32 $0x7, v3  }
0x146: {  	v3 =	vor.u32 v3, v4  }
0x147: {  	v4 =	vperm.xlane v3, v0;
	_ =	sdelay $0x1  }
0x148: {  	v4 =	vadd.s32 v1, v4;
	_ =	sdelay $0x3  }
0x149: {  	v3 =	vperm.xlane v3, v2  }
0x14a: {  	[hbm4b:s3+s2] =	stream.indirect_vreg.scatter [tilespmem:s15], [sflag:$0x7], $0x80, v4, vm0, $0xb8;
	[tilespmem:$0x18200] =	vst v63  }
0x14b: {  	v3 =	vadd.s32 v1, v3  }
0x14c: {  	[hbm4b:s4+s2] =	stream.indirect_vreg.scatter [tilespmem:s16], [sflag:$0x7], $0x80, v4, vm0, $0xb8;
	[tilespmem:$0x18200] =	vst v63  }
0x14d: {  	_ = 	snop  }
0x14e: {  	[hbm4b:s5+s2] =	stream.indirect_vreg.scatter [tilespmem:s17], [sflag:$0x7], $0x80, v4, vm0, $0xb8;
	[tilespmem:$0x18200] =	vst v63  }
0x14f: {  	_ = 	snop  }
0x150: {  	[hbm4b:s3+s2] =	stream.indirect_vreg.scatter [tilespmem:s18], [sflag:$0x7], $0x80, v3, vm0, $0xb8;
	[tilespmem:$0x18200] =	vst v63  }
0x151: {  	_ = 	snop  }
0x152: {  	[hbm4b:s4+s2] =	stream.indirect_vreg.scatter [tilespmem:s19], [sflag:$0x7], $0x80, v3, vm0, $0xb8;
	[tilespmem:$0x18200] =	vst v63  }
0x153: {  	_ = 	snop  }
0x154: {  	[hbm4b:s5+s2] =	stream.indirect_vreg.scatter [tilespmem:s20], [sflag:$0x7], $0x80, v3, vm0, $0xb8;
	[tilespmem:$0x18200] =	vst v63  }
0x155: {  	v3 =	vld [tilespmem:$0x1A0];
	_ =	sdelay $0x4  }
0x156: {  	v62 =	vshrl.u32 v3, $0x3  }
0x157: {  	v4 =	vmul.u32 $0x30, v62  }
0x158: {  	v3 =	vand.u32 $0x7, v3  }
0x159: {  	v3 =	vor.u32 v3, v4  }
0x15a: {  	v4 =	vperm.xlane v3, v0;
	_ =	sdelay $0x1  }
0x15b: {  	v4 =	vadd.s32 v1, v4;
	_ =	sdelay $0x3  }
0x15c: {  	v3 =	vperm.xlane v3, v2  }
0x15d: {  	[hbm4b:s3+s2] =	stream.indirect_vreg.scatter [tilespmem:s22], [sflag:$0x7], $0x80, v4, vm0, $0xb8;
	[tilespmem:$0x18200] =	vst v63  }
0x15e: {  	v3 =	vadd.s32 v1, v3  }
0x15f: {  	[hbm4b:s4+s2] =	stream.indirect_vreg.scatter [tilespmem:s23], [sflag:$0x7], $0x80, v4, vm0, $0xb8;
	[tilespmem:$0x18200] =	vst v63  }
0x160: {  	_ = 	snop  }
0x161: {  	[hbm4b:s5+s2] =	stream.indirect_vreg.scatter [tilespmem:s24], [sflag:$0x7], $0x80, v4, vm0, $0xb8;
	[tilespmem:$0x18200] =	vst v63  }
0x162: {  	_ = 	snop  }
0x163: {  	[hbm4b:s3+s2] =	stream.indirect_vreg.scatter [tilespmem:s25], [sflag:$0x7], $0x80, v3, vm0, $0xb8;
	[tilespmem:$0x18200] =	vst v63  }
0x164: {  	_ = 	snop  }
0x165: {  	[hbm4b:s4+s2] =	stream.indirect_vreg.scatter [tilespmem:s26], [sflag:$0x7], $0x80, v3, vm0, $0xb8;
	[tilespmem:$0x18200] =	vst v63  }
0x166: {  	_ = 	snop  }
0x167: {  	[hbm4b:s5+s2] =	stream.indirect_vreg.scatter [tilespmem:s28], [sflag:$0x7], $0x80, v3, vm0, $0xb8;
	[tilespmem:$0x18200] =	vst v63  }
0x168: {  	v3 =	vld [tilespmem:$0x1B0];
	_ =	sdelay $0x4  }
0x169: {  	v63 =	vshrl.u32 v3, $0x3  }
0x16a: {  	v4 =	vmul.u32 $0x30, v63  }
0x16b: {  	v3 =	vand.u32 $0x7, v3  }
0x16c: {  	v3 =	vor.u32 v3, v4  }
0x16d: {  	v4 =	vperm.xlane v3, v0;
	_ =	sdelay $0x1  }
0x16e: {  	v4 =	vadd.s32 v1, v4;
	_ =	sdelay $0x3  }
0x16f: {  	v3 =	vperm.xlane v3, v2  }
0x170: {  	[hbm4b:s3+s2] =	stream.indirect_vreg.scatter [tilespmem:s29], [sflag:$0x7], $0x80, v4, vm0, $0xb8;
	[tilespmem:$0x18200] =	vst v63  }
0x171: {  	v3 =	vadd.s32 v1, v3  }
0x172: {  	[hbm4b:s4+s2] =	stream.indirect_vreg.scatter [tilespmem:s30], [sflag:$0x7], $0x80, v4, vm0, $0xb8;
	[tilespmem:$0x18200] =	vst v63  }
0x173: {  	_ = 	snop  }
0x174: {  	[hbm4b:s5+s2] =	stream.indirect_vreg.scatter [tilespmem:s31], [sflag:$0x7], $0x80, v4, vm0, $0xb8;
	[tilespmem:$0x18200] =	vst v63  }
0x175: {  	s22 =	simm.s32 $0x16A00  }
0x176: {  	[hbm4b:s3+s2] =	stream.indirect_vreg.scatter [tilespmem:s22], [sflag:$0x7], $0x80, v3, vm0, $0xb8;
	[tilespmem:$0x18200] =	vst v63  }
0x177: {  	p0 =	sne.s32 s6, $0x1;
	s23 =	simm.s32 $0x17200  }
0x178: {  	[hbm4b:s4+s2] =	stream.indirect_vreg.scatter [tilespmem:s23], [sflag:$0x7], $0x80, v3, vm0, $0xb8;
	[tilespmem:$0x18200] =	vst v63  }
.Ltmp0:
0x179: {  	s24 =	simm.s32 $0x17A00;
	(pc) =	sbr.rel @p0 .LBB2_1-.Ltmp0, $4  }
0x17a: {  	[hbm4b:s5+s2] =	stream.indirect_vreg.scatter [tilespmem:s24], [sflag:$0x7], $0x80, v3, vm0, $0xb8;
	[tilespmem:$0x18200] =	vst v63  }
0x17b: {  	_ =	swait.ge [sflag:s12], $0xC000  }
0x17c: {  	[sflag:s12] =	ssyncset.done $0x0  }
0x17d: {  	s6 =	sadd.s32 $0xFFFFFFFF, s6;
	[sflag:s12] =	ssyncadd.s32 $0xFFFF4000  }
0x17e: {  	_ =	sfence.sel $0x180000  }
0x17f: {  	[bflag:$0x0] =	sbarrier.arrive $0xFFFF  }
0x180: {  	_ =	strace $0x90000047  }
0x181: {  	s0 =	stileid.u32;
	[bflag:$0x2] =	sbarrier.arrive $0xFFFF  }
0x182: {  	p0 =	sne.s32 s0, $0x0;
	s0 =	rddreg [dreg:$0x2]  }
0x183: {  	s0 =	sadd.s32 @!p0 $0x100000, s0  }
0x184: {  	[sflag:s0] =	ssyncadd.tile.s32 @!p0 $0x1;
	_ =	shalt  }
.Lfunc_end2:
_tile_overlayer_lowered:
.L_overlay_start_2:
0x185: {  	(tag) =	ssettag $0x2  }
0x186: {  	s0 =	rddreg [dreg:$0x0];
	s2 =	stileid.u32  }
0x187: {  	s1 =	rddreg [dreg:$0x1];
	p0 =	sne.s32 s2, $0x0  }
0x188: {  	s3 =	rddreg [dreg:$0x2];
	[bflag:$0x3] =	sbarrier.arrive $0xFFFF;
	s2 =	simm.s32 @!p0 $0x1C07  }
0x189: {  	[timem:s3], [sflag:s2] =	dma.local @!p0 [hbm:s0], s1  }
0x18a: {  	s0 =	simm.s32 @!p0 $0x7  }
0x18b: {  	_ =	swait.ge @!p0 [sflag:s0], s1  }
0x18c: {  	s1 =	ssub.s32 @!p0 $0x0, s1;
	[sflag:s0] =	ssyncset.done @!p0 $0x0  }
0x18d: {  	[sflag:s0] =	ssyncadd.s32 @!p0 s1  }
0x18e: {  	[bflag:$0x3] =	sbarrier.arrive $0xFFFF  }
0x18f: {  	_ =	shalt  }

// kernel: kernel.9.cloned.1.call-start
scs
__scs_entry_jumppad:
0x0: {  	(pc) =	sbr.rel $0x88, $3  }
0x1: {  	(tag) =	ssettag $0x0;
	lr =	simm.s32 $0x1  }
0x2: {  	[smem:$0x3F9A] =	sst lr;
	_ =	strace $0xD0000000  }
0x3: {  	_ = 	snop  }
0x4: {  	_ = 	snop  }
0x5: {  	_ = 	snop  }
0x6: {  	_ = 	snop  }
0x7: {  	_ = 	snop  }
__scs_overlays_trampoline_lowered:
0x8: {  	[smem:$0x3FA9] =	sst s0  }
0x9: {  	[smem:$0x3FAA] =	sst s1  }
0xa: {  	[smem:$0x3FAB] =	sst s2  }
0xb: {  	[smem:$0x3FAC] =	sst s3  }
0xc: {  	[smem:$0x3FAD] =	sst s4  }
0xd: {  	[smem:$0x3FAE] =	sst s5  }
0xe: {  	[smem:$0x3FAF] =	sst s6  }
0xf: {  	[smem:$0x3FB0] =	sst s7  }
0x10: {  	[smem:$0x3FB1] =	sst s8  }
0x11: {  	[smem:$0x3FB2] =	sst s9;
	s0 =	simm.s32 @!p0 $0x0  }
0x12: {  	s1 =	sld [smem:$0x3F98];
	s0 =	simm.s32 @p0 $0x1  }
0x13: {  	[smem:$0x3FB3] =	sst s0;
	s0 =	simm.s32 @!p1 $0x0  }
0x14: {  	s2 =	sld [smem:$0x3F97];
	s0 =	simm.s32 @p1 $0x1  }
0x15: {  	[smem:$0x3FB4] =	sst s0;
	s0 =	simm.s32 @!p2 $0x0  }
0x16: {  	s3 =	sld [smem:$0x3FDB];
	s0 =	simm.s32 @p2 $0x1  }
0x17: {  	s4 =	simm.s32 $0x1BF5;
	[smem:$0x3FB6] =	sst s0  }
0x18: {  	s0 =	sld [smem:$0x3F99];
	_ =	swait.ge [sflag:s4], $0x0  }
0x19: {  	s7 =	sld [smem:$0x3F9A]  }
0x1a: {  	s8 =	sadd.s32 $0xFFFFE003, lr  }
0x1b: {  	s9 =	sadd.s32 $0xFFFFFEF7, lr;
	s5 =	simm.s32 $0xFFFFFFFF;
	p2 =	slt.u32 s8, $0xFFFFF086  }
0x1c: {  	p1 =	slt.u32 s9, $0xF7A;
	s5 =	simm.s32 @!p2 $0x0  }
0x1d: {  	s5 =	simm.s32 @p1 $0x1;
	p0 =	seq.s32 s7, s2  }
0x1e: {  	s7 =	smul.u32 @!p0 $0xF7A, s2;
	p2 =	seq.s32 @!p0 s5, $0x0  }
0x1f: {  	s9 =	smul.u32 $0xF7A, s1;
	s8 =	simm.s32 @!p0 $0x1BF5;
	p2 =	por !p2, p0  }
0x20: {  	[sflag:s8] =	ssyncset.s32 @!p0 $0xFFFFF086;
	s6 =	sadd.s32 @!p0 s3, s7;
	s7 =	simm.s32 @!p0 $0x108  }
0x21: {  	s3 =	sadd.s32 s3, s9;
	s6 =	sadd.s32 @!p0 $0x88, s6;
	s7 =	simm.s32 @p2 $0x1082  }
0x22: {  	[simem:s7], [sflag:s8] =	dma.local @!p0 [hbm:s6], $0xF7A  }
0x23: {  	s9 =	sor.u32 $0xD0000000, s2;
	s6 =	simm.s32 $0x108;
	_ =	swait.ge @!p0 [sflag:s8], $0x0  }
0x24: {  	s3 =	sadd.s32 $0x88, s3;
	s6 =	simm.s32 @!p1 $0x1082;
	[sflag:s4] =	ssyncset.s32 $0xFFFFF086  }
0x25: {  	[simem:s6], [sflag:s4] =	dma.local [hbm:s3], $0xF7A  }
0x26: {  	[smem:$0x3F9A] =	sst s1;
	(tag) =	ssettag s2;
	_ =	strace s9  }
0x27: {  	s1 =	sld [smem:$0x3FAA]  }
0x28: {  	s2 =	sld [smem:$0x3FAB]  }
0x29: {  	s4 =	sld [smem:$0x3FAD]  }
0x2a: {  	p0 =	seq.s32 s5, $0x0;
	s5 =	sld [smem:$0x3FAE]  }
0x2b: {  	s6 =	sld [smem:$0x3FAF]  }
0x2c: {  	s7 =	sld [smem:$0x3FB0]  }
0x2d: {  	s3 =	simm.s32 $0x108;
	s8 =	sld [smem:$0x3FB1]  }
0x2e: {  	s3 =	simm.s32 @!p0 $0x1082;
	s9 =	sld [smem:$0x3FB2]  }
0x2f: {  	lr =	sadd.s32 s0, s3;
	s0 =	sld [smem:$0x3FA9]  }
0x30: {  	s3 =	sld [smem:$0x3FAC]  }
0x31: {  	[smem:$0x3FB5] =	sst s10  }
0x32: {  	s10 =	sld [smem:$0x3FB3];
	_ =	sdelay $0x3  }
0x33: {  	p0 =	seq.s32 s10, $0x1;
	s10 =	sld [smem:$0x3FB5];
	_ =	sdelay $0x3  }
0x34: {  	[smem:$0x3FB5] =	sst s10  }
0x35: {  	s10 =	sld [smem:$0x3FB4];
	_ =	sdelay $0x3  }
0x36: {  	p1 =	seq.s32 s10, $0x1;
	s10 =	sld [smem:$0x3FB5];
	_ =	sdelay $0x3  }
0x37: {  	[smem:$0x3FB5] =	sst s10  }
0x38: {  	s10 =	sld [smem:$0x3FB6]  }
0x39: {  	_ = 	snop;
	(pc) =	sbr.ind lr, $3  }
0x3a: {  	_ = 	snop  }
0x3b: {  	_ = 	snop  }
0x3c: {  	p2 =	seq.s32 s10, $0x1;
	s10 =	sld [smem:$0x3FB5]  }
0x3d: {  	_ =	shalt  }
0x3e: {  	_ =	shalt  }
0x3f: {  	_ =	shalt  }
0x40: {  	_ =	shalt  }
0x41: {  	_ =	shalt  }
0x42: {  	_ =	shalt  }
0x43: {  	_ =	shalt  }
0x44: {  	_ =	shalt  }
0x45: {  	_ =	shalt  }
0x46: {  	_ =	shalt  }
0x47: {  	_ =	shalt  }
0x48: {  	_ =	shalt  }
0x49: {  	_ =	shalt  }
0x4a: {  	_ =	shalt  }
0x4b: {  	_ =	shalt  }
0x4c: {  	_ =	shalt  }
0x4d: {  	_ =	shalt  }
0x4e: {  	_ =	shalt  }
0x4f: {  	_ =	shalt  }
0x50: {  	_ =	shalt  }
0x51: {  	_ =	shalt  }
0x52: {  	_ =	shalt  }
0x53: {  	_ =	shalt  }
0x54: {  	_ =	shalt  }
0x55: {  	_ =	shalt  }
0x56: {  	_ =	shalt  }
0x57: {  	_ =	shalt  }
0x58: {  	_ =	shalt  }
0x59: {  	_ =	shalt  }
0x5a: {  	_ =	shalt  }
0x5b: {  	_ =	shalt  }
0x5c: {  	_ =	shalt  }
0x5d: {  	_ =	shalt  }
0x5e: {  	_ =	shalt  }
0x5f: {  	_ =	shalt  }
0x60: {  	_ =	shalt  }
0x61: {  	_ =	shalt  }
0x62: {  	_ =	shalt  }
0x63: {  	_ =	shalt  }
0x64: {  	_ =	shalt  }
0x65: {  	_ =	shalt  }
0x66: {  	_ =	shalt  }
0x67: {  	_ =	shalt  }
0x68: {  	_ =	shalt  }
0x69: {  	_ =	shalt  }
0x6a: {  	_ =	shalt  }
0x6b: {  	_ =	shalt  }
0x6c: {  	_ =	shalt  }
0x6d: {  	_ =	shalt  }
0x6e: {  	_ =	shalt  }
0x6f: {  	_ =	shalt  }
0x70: {  	_ =	shalt  }
0x71: {  	_ =	shalt  }
0x72: {  	_ =	shalt  }
0x73: {  	_ =	shalt  }
0x74: {  	_ =	shalt  }
0x75: {  	_ =	shalt  }
0x76: {  	_ =	shalt  }
0x77: {  	_ =	shalt  }
0x78: {  	_ =	shalt  }
0x79: {  	_ =	shalt  }
0x7a: {  	_ =	shalt  }
0x7b: {  	_ =	shalt  }
0x7c: {  	_ =	shalt  }
0x7d: {  	_ =	shalt  }
0x7e: {  	_ =	shalt  }
0x7f: {  	_ =	shalt  }
0x80: {  	_ =	shalt  }
0x81: {  	_ =	shalt  }
0x82: {  	_ =	shalt  }
0x83: {  	_ =	shalt  }
0x84: {  	_ =	shalt  }
0x85: {  	_ =	shalt  }
0x86: {  	_ =	shalt  }
0x87: {  	_ =	shalt  }
.Lfunc_end0:
.L_simem_size_0:
called_computation.1_lowered:
.L_overlay_start_0:
0x88: {  	s2 =	sld [smem:$0x3FD9]  }
0x89: {  	s3 =	sld [smem:$0x3FFE];
	_ =	sdelay $0x1  }
0x8a: {  	s1 =	srdreg.scid  }
0x8b: {  	s0 =	sand.u32 $0x1, s1  }
0x8c: {  	s14 =	sshll.u32 s0, $0xA;
	s2 =	sadd.s32 s3, s2  }
0x8d: {  	s2 =	sadd.s32 s2, s14  }
0x8e: {  	[smem:$0x3FC1] =	sst s2  }
0x8f: {  	_ = 	snop  }
0x90: {  	s2 =	sld [smem:$0x3FD0];
	_ =	sdelay $0x2  }
0x91: {  	s15 =	simm.s32 $0xA;
	s4 =	simm.s32 $0x10  }
0x92: {  	[smem:s4], [sflag:s15] =	dma.local [hbm:s2], $0x1  }
0x93: {  	_ =	swait.eq [sflag:s15], $0x1  }
0x94: {  	[sflag:s15] =	ssyncset.done $0x0  }
0x95: {  	[sflag:s15] =	ssyncadd.s32 $0xFFFFFFFF  }
0x96: {  	s16 =	sld [smem:$0x10];
	(tm) =	ssettm $0x1  }
0x97: {  	s17 =	sld [smem:$0x3FFB];
	_ =	sdelay $0x3  }
0x98: {  	_ =	strace s17  }
0x99: {  	s3 =	sld [smem:$0x3FFC];
	_ =	sdelay $0x3  }
0x9a: {  	_ =	strace s3  }
0x9b: {  	s3 =	sld [smem:$0x3FFD];
	_ =	sdelay $0x3  }
0x9c: {  	_ =	strace s3  }
0x9d: {  	_ =	strace $0x8FFFFFFF  }
0x9e: {  	s18 =	sld [smem:$0x3FDB];
	_ =	sdelay $0x1  }
0x9f: {  	s19 =	simm.s32 $_scs_section_size  }
0xa0: {  	s5 =	simm.s32 $_size__tile_overlayer_lowered;
	s6 =	simm.s32 $_tile_overlayer_lowered  }
0xa1: {  	s22 =	simm.s32 $0x1BFF;
	s21 =	sshll.u32 s6, $0x1;
	s3 =	sadd.s32 s19, s18  }
0xa2: {  	s7 =	simm.s32 $0x0;
	s20 =	sshll.u32 s5, $0x1;
	s5 =	sadd.s32 s21, s3  }
0xa3: {  	[timem:s7], [sflag:s22] =	dma.local [hbm:s5], s20  }
0xa4: {  	_ =	swait.ge [sflag:s22], s20  }
0xa5: {  	s4 =	ssub.s32 $0x0, s20;
	[sflag:s22] =	ssyncset.done $0x0  }
0xa6: {  	[sflag:s22] =	ssyncadd.s32 s4;
	_ =	sdelay $0x1  }
0xa7: {  	s23 =	simm.s32 $0x1B8B  }
0xa8: {  	_ =	swait.ge [sflag:s23], $0x1  }
0xa9: {  	[sflag:s23] =	ssyncset.done $0x0  }
0xaa: {  	s25 =	simm.s32 $0x1B8E;
	s24 =	sld [smem:$0x3FFE];
	[sflag:s23] =	ssyncadd.s32 $0xFFFFFFFF  }
0xab: {  	s26 =	simm.s32 $execute0_lowered;
	[smem:$0x3FD2] =	sst s25  }
0xac: {  	s5 =	sshll.u32 s26, $0x1;
	_ =	strace $0x80000049;
	[dreg:$0x1] =	wrdreg $0xFFFFFFFF  }
0xad: {  	s28 =	simm.s32 $_size_execute0_lowered;
	s3 =	sadd.s32 s3, s5;
	[dreg:$0x0] =	wrdreg $0x0  }
0xae: {  	s5 =	sshll.u32 s28, $0x1;
	[dreg:$0x2] =	wrdreg s3  }
0xaf: {  	[dreg:$0x3] =	wrdreg s5  }
0xb0: {  	[dreg:$0x4] =	wrdreg $0xC0  }
0xb1: {  	_ =	task [dreg:s7], $0x5FFFF  }
0xb2: {  	[dreg:$0x1] =	wrdreg $0xFFFFFFFF  }
0xb3: {  	[dreg:$0x0] =	wrdreg $0x60  }
0xb4: {  	[dreg:$0x2] =	wrdreg s24  }
0xb5: {  	[dreg:$0x3] =	wrdreg s16  }
0xb6: {  	[dreg:$0x4] =	wrdreg $0x9  }
0xb7: {  	_ =	task.clear_ibuf [dreg:s7], $0x5FFFF;
	_ =	strace $0x90000049  }
0xb8: {  	s29 =	simm.s32 $0x9;
	_ =	strace $0x8000004B  }
0xb9: {  	_ =	swait.ge [sflag:s29], $0x1  }
0xba: {  	[sflag:s29] =	ssyncadd.s32 $0xFFFFFFFF  }
0xbb: {  	_ =	strace $0x9000004B  }
0xbc: {  	_ =	sfence  }
0xbd: {  	s30 =	sld [smem:$0x0];
	_ =	sdelay $0x2  }
0xbe: {  	s31 =	sshll.u32 s1, $0xD;
	s1 =	sshrl.u32 s1, $0x2  }
0xbf: {  	s3 =	sand.u32 $0x4000, s31;
	s1 =	sadd.s32 s1, s30  }
0xc0: {  	s0 =	sor.u32 s3, s0;
	s1 =	sshll.u32 s1, $0x11  }
0xc1: {  	s0 =	sor.u32 s1, s0  }
0xc2: {  	s0 =	sadd.s32 $0x8F2B, s0  }
0xc3: {  	[sflag:s0] =	ssyncadd.remote.s32 $0x1  }
0xc4: {  	_ =	sfence.sel $0xFFFF  }
0xc5: {  	[dreg:$0x0] =	wrdreg $0xFFFFFFFF;
	(pc) =	sbr.abs _section_cstart, $3  }
0xc6: {  	[dreg:$0x1] =	wrdreg $0xFFFFFFFF  }
0xc7: {  	_ =	task.clear_ibuf [dreg:s7], $0x2FFFF;
	_ =	strace $0x9FFFFFFF  }
0xc8: {  	(tm) =	ssettm $0x7FFFFFFF  }
0xc9: {  	_ =	shalt  }
tec
execute0_lowered:
.L_overlay_start_1:
0x0: {  	(tag) =	ssettag $0x1  }
0x1: {  	s0 =	rddreg [dreg:$0x0]  }
0x2: {  	s1 =	rddreg [dreg:$0x1];
	s2 =	srdreg.scid  }
0x3: {  	s3 =	stileid.u32;
	s24 =	simm.s32 $0x80;
	s25 =	simm.s32 $0x100  }
0x4: {  	s26 =	simm.s32 $0x180;
	s28 =	simm.s32 $0x5A00;
	s29 =	simm.s32 $0x6200  }
0x5: {  	s30 =	simm.s32 $0x6A00;
	s31 =	simm.s32 $0x7200;
	s13 =	simm.s32 $0x9A00  }
0x6: {  	s15 =	simm.s32 $0xA200;
	s11 =	simm.s32 $0xBA00;
	s14 =	simm.s32 $0xC200  }
0x7: {  	s4 =	sand.u32 $0x1, s2;
	s2 =	simm.s32 $0x0;
	s3 =	sshll.u32 s3, $0x6  }
0x8: {  	s6 =	sadd.s32 $0x1200, s0;
	s5 =	sshll.u32 s4, $0x5;
	[smem:$0x7FF] =	sst s2  }
0x9: {  	s4 =	ssub.s32 $0x2, s4;
	_ =	strace $0x8000004A;
	[dreg:$0xb] =	wrdreg s24  }
0xa: {  	s5 =	sor.u32 s5, s3;
	s23 =	sshrl.u32 s4, $0x1;
	[dreg:$0xc] =	wrdreg s25  }
0xb: {  	[dreg:$0xd] =	wrdreg s26;
	s24 =	simm.s32 $0x4200;
	s25 =	simm.s32 $0x4A00  }
0xc: {  	s26 =	simm.s32 $0x5200;
	s3 =	sadd.s32 s6, s5;
	s7 =	sor.u32 $0x8, s5  }
0xd: {  	s18 =	sor.u32 $0x10, s5;
	s10 =	sor.u32 $0x18, s5;
	s5 =	smul.u32 $0x300, s5  }
0xe: {  	[dreg:$0x3] =	wrdreg s3;
	s8 =	sadd.s32 s6, s7;
	s3 =	sadd.s32 $0x241600, s0  }
0xf: {  	s9 =	sadd.s32 s6, s18;
	s7 =	smul.u32 $0x300, s7;
	[dreg:$0x4] =	wrdreg s8  }
0x10: {  	s6 =	sadd.s32 s6, s10;
	s19 =	smul.u32 $0x300, s18;
	[dreg:$0x5] =	wrdreg s9  }
0x11: {  	s21 =	smul.u32 $0x300, s10;
	s10 =	simm.s32 $0x8200;
	[dreg:$0x6] =	wrdreg s6  }
0x12: {  	s5 =	sadd.s32 s1, s5;
	s6 =	ssub.s32 s4, s23;
	s4 =	sadd.s32 $0x241700, s0  }
0x13: {  	s8 =	simm.s32 $0x7;
	s23 =	simm.s32 $0x3A00;
	s9 =	simm.s32 $0xB200  }
0x14: {  	[dreg:$0x7] =	wrdreg s5;
	s20 =	sadd.s32 s1, s7;
	s22 =	sadd.s32 s1, s19  }
0x15: {  	v2 =	vlaneseq.u32;
	s1 =	sadd.s32 s1, s21;
	s5 =	sadd.s32 $0x241800, s0;
	[dreg:$0x8] =	wrdreg s20  }
0x16: {  	vm0 =	vmmov $0xffff;
	v1 =	vshrl.u32 v2, $0x3;
	s6 =	smax.u32 s6, $0x1;
	s21 =	simm.s32 $0x2A00;
	[dreg:$0x9] =	wrdreg s22  }
0x17: {  	v0 =	vand.u32 $0x7, v2;
	v2 =	vor.u32 $0x8, v2;
	v1 =	vmul.u32 $0x8, v1;
	[dreg:$0xa] =	wrdreg s1;
	s20 =	simm.s32 $0x2200;
	s22 =	simm.s32 $0x3200  }
.LBB2_1:
0x18: {  	s16 =	rddreg [dreg:$0x3]  }
0x19: {  	s17 =	rddreg [dreg:$0x4]  }
0x1a: {  	s18 =	rddreg [dreg:$0xb]  }
0x1b: {  	s0 =	rddreg [dreg:$0xc]  }
0x1c: {  	[tilespmem:s2], [sflag:$0x1] =	stream.linear.gather [hbm4b:s16+s2], $0x40, $0x38;
	[tilespmem:$0x18200] =	vst v63  }
0x1d: {  	s1 =	rddreg [dreg:$0x6]  }
0x1e: {  	[tilespmem:s18], [sflag:$0x2] =	stream.linear.gather [hbm4b:s17+s2], $0x40, $0x38;
	[tilespmem:$0x18200] =	vst v63  }
0x1f: {  	s18 =	rddreg [dreg:$0x5]  }
0x20: {  	[tilespmem:s0], [sflag:$0x3] =	stream.linear.gather [hbm4b:s18+s2], $0x40, $0x38;
	[tilespmem:$0x18200] =	vst v63  }
0x21: {  	s19 =	rddreg [dreg:$0xd];
	s0 =	simm.s32 $0x1  }
0x22: {  	[tilespmem:s19], [sflag:$0x4] =	stream.linear.gather [hbm4b:s1+s2], $0x40, $0x38;
	[tilespmem:$0x18200] =	vst v63  }
0x23: {  	_ =	swait.ge [sflag:s0], $0x40  }
0x24: {  	[sflag:s0] =	ssyncset.done $0x0  }
0x25: {  	[sflag:s0] =	ssyncadd.s32 $0xFFFFFFC0  }
0x26: {  	v3 =	vld [tilespmem:$0x0];
	_ =	sdelay $0x4  }
0x27: {  	v4 =	vshrl.u32 v3, $0x3  }
0x28: {  	v4 =	vmul.u32 $0x30, v4  }
0x29: {  	v3 =	vand.u32 $0x7, v3  }
0x2a: {  	v3 =	vor.u32 v3, v4  }
0x2b: {  	v4 =	vperm.xlane v3, v0;
	_ =	sdelay $0x1  }
0x2c: {  	v4 =	vadd.s32 v1, v4;
	_ =	sdelay $0x3  }
0x2d: {  	s7 =	simm.s32 $0x200;
	v3 =	vperm.xlane v3, v2  }
0x2e: {  	[tilespmem:s7], [sflag:$0x5] =	stream.indirect_vreg.gather [hbm4b:s3+s2], $0x80, v4, vm0, $0xb8;
	[tilespmem:$0x18200] =	vst v63  }
0x2f: {  	s17 =	simm.s32 $0xA00;
	v3 =	vadd.s32 v1, v3  }
0x30: {  	[tilespmem:s17], [sflag:$0x5] =	stream.indirect_vreg.gather [hbm4b:s4+s2], $0x80, v4, vm0, $0xb8;
	[tilespmem:$0x18200] =	vst v63  }
0x31: {  	s18 =	simm.s32 $0x1200  }
0x32: {  	[tilespmem:s18], [sflag:$0x5] =	stream.indirect_vreg.gather [hbm4b:s5+s2], $0x80, v4, vm0, $0xb8;
	[tilespmem:$0x18200] =	vst v63  }
0x33: {  	s19 =	simm.s32 $0x1A00  }
0x34: {  	[tilespmem:s19], [sflag:$0x5] =	stream.indirect_vreg.gather [hbm4b:s3+s2], $0x80, v3, vm0, $0xb8;
	[tilespmem:$0x18200] =	vst v63  }
0x35: {  	_ = 	snop  }
0x36: {  	[tilespmem:s20], [sflag:$0x5] =	stream.indirect_vreg.gather [hbm4b:s4+s2], $0x80, v3, vm0, $0xb8;
	[tilespmem:$0x18200] =	vst v63  }
0x37: {  	_ = 	snop  }
0x38: {  	[tilespmem:s21], [sflag:$0x5] =	stream.indirect_vreg.gather [hbm4b:s5+s2], $0x80, v3, vm0, $0xb8;
	[tilespmem:$0x18200] =	vst v63  }
0x39: {  	v3 =	vld [tilespmem:$0x10];
	_ =	sdelay $0x4  }
0x3a: {  	v49 =	vshrl.u32 v3, $0x3  }
0x3b: {  	v4 =	vmul.u32 $0x30, v49  }
0x3c: {  	v3 =	vand.u32 $0x7, v3  }
0x3d: {  	v3 =	vor.u32 v3, v4  }
0x3e: {  	v4 =	vperm.xlane v3, v0;
	_ =	sdelay $0x1  }
0x3f: {  	v4 =	vadd.s32 v1, v4;
	_ =	sdelay $0x3  }
0x40: {  	v3 =	vperm.xlane v3, v2  }
0x41: {  	[tilespmem:s22], [sflag:$0x5] =	stream.indirect_vreg.gather [hbm4b:s3+s2], $0x80, v4, vm0, $0xb8;
	[tilespmem:$0x18200] =	vst v63  }
0x42: {  	v3 =	vadd.s32 v1, v3  }
0x43: {  	[tilespmem:s23], [sflag:$0x5] =	stream.indirect_vreg.gather [hbm4b:s4+s2], $0x80, v4, vm0, $0xb8;
	[tilespmem:$0x18200] =	vst v63  }
0x44: {  	_ = 	snop  }
0x45: {  	[tilespmem:s24], [sflag:$0x5] =	stream.indirect_vreg.gather [hbm4b:s5+s2], $0x80, v4, vm0, $0xb8;
	[tilespmem:$0x18200] =	vst v63  }
0x46: {  	_ = 	snop  }
0x47: {  	[tilespmem:s25], [sflag:$0x5] =	stream.indirect_vreg.gather [hbm4b:s3+s2], $0x80, v3, vm0, $0xb8;
	[tilespmem:$0x18200] =	vst v63  }
0x48: {  	_ = 	snop  }
0x49: {  	[tilespmem:s26], [sflag:$0x5] =	stream.indirect_vreg.gather [hbm4b:s4+s2], $0x80, v3, vm0, $0xb8;
	[tilespmem:$0x18200] =	vst v63  }
0x4a: {  	_ = 	snop  }
0x4b: {  	[tilespmem:s28], [sflag:$0x5] =	stream.indirect_vreg.gather [hbm4b:s5+s2], $0x80, v3, vm0, $0xb8;
	[tilespmem:$0x18200] =	vst v63  }
0x4c: {  	v3 =	vld [tilespmem:$0x20];
	_ =	sdelay $0x4  }
0x4d: {  	v50 =	vshrl.u32 v3, $0x3  }
0x4e: {  	v4 =	vmul.u32 $0x30, v50  }
0x4f: {  	v3 =	vand.u32 $0x7, v3  }
0x50: {  	v3 =	vor.u32 v3, v4  }
0x51: {  	v4 =	vperm.xlane v3, v0;
	_ =	sdelay $0x1  }
0x52: {  	v4 =	vadd.s32 v1, v4;
	_ =	sdelay $0x3  }
0x53: {  	v3 =	vperm.xlane v3, v2  }
0x54: {  	[tilespmem:s29], [sflag:$0x5] =	stream.indirect_vreg.gather [hbm4b:s3+s2], $0x80, v4, vm0, $0xb8;
	[tilespmem:$0x18200] =	vst v63  }
0x55: {  	v3 =	vadd.s32 v1, v3  }
0x56: {  	[tilespmem:s30], [sflag:$0x5] =	stream.indirect_vreg.gather [hbm4b:s4+s2], $0x80, v4, vm0, $0xb8;
	[tilespmem:$0x18200] =	vst v63  }
0x57: {  	_ = 	snop  }
0x58: {  	[tilespmem:s31], [sflag:$0x5] =	stream.indirect_vreg.gather [hbm4b:s5+s2], $0x80, v4, vm0, $0xb8;
	[tilespmem:$0x18200] =	vst v63  }
0x59: {  	s12 =	simm.s32 $0x7A00  }
0x5a: {  	[tilespmem:s12], [sflag:$0x5] =	stream.indirect_vreg.gather [hbm4b:s3+s2], $0x80, v3, vm0, $0xb8;
	[tilespmem:$0x18200] =	vst v63  }
0x5b: {  	_ = 	snop  }
0x5c: {  	[tilespmem:s10], [sflag:$0x5] =	stream.indirect_vreg.gather [hbm4b:s4+s2], $0x80, v3, vm0, $0xb8;
	[tilespmem:$0x18200] =	vst v63  }
0x5d: {  	s7 =	simm.s32 $0x8A00  }
0x5e: {  	[tilespmem:s7], [sflag:$0x5] =	stream.indirect_vreg.gather [hbm4b:s5+s2], $0x80, v3, vm0, $0xb8;
	[tilespmem:$0x18200] =	vst v63  }
0x5f: {  	v3 =	vld [tilespmem:$0x30];
	_ =	sdelay $0x4  }
0x60: {  	v51 =	vshrl.u32 v3, $0x3  }
0x61: {  	v4 =	vmul.u32 $0x30, v51  }
0x62: {  	v3 =	vand.u32 $0x7, v3  }
0x63: {  	v3 =	vor.u32 v3, v4  }
0x64: {  	v4 =	vperm.xlane v3, v0;
	_ =	sdelay $0x1  }
0x65: {  	v4 =	vadd.s32 v1, v4;
	_ =	sdelay $0x3  }
0x66: {  	s1 =	simm.s32 $0x9200;
	v3 =	vperm.xlane v3, v2  }
0x67: {  	[tilespmem:s1], [sflag:$0x5] =	stream.indirect_vreg.gather [hbm4b:s3+s2], $0x80, v4, vm0, $0xb8;
	[tilespmem:$0x18200] =	vst v63  }
0x68: {  	v3 =	vadd.s32 v1, v3  }
0x69: {  	[tilespmem:s13], [sflag:$0x5] =	stream.indirect_vreg.gather [hbm4b:s4+s2], $0x80, v4, vm0, $0xb8;
	[tilespmem:$0x18200] =	vst v63  }
0x6a: {  	_ = 	snop  }
0x6b: {  	[tilespmem:s15], [sflag:$0x5] =	stream.indirect_vreg.gather [hbm4b:s5+s2], $0x80, v4, vm0, $0xb8;
	[tilespmem:$0x18200] =	vst v63  }
0x6c: {  	s16 =	simm.s32 $0xAA00  }
0x6d: {  	[tilespmem:s16], [sflag:$0x5] =	stream.indirect_vreg.gather [hbm4b:s3+s2], $0x80, v3, vm0, $0xb8;
	[tilespmem:$0x18200] =	vst v63  }
0x6e: {  	_ = 	snop  }
0x6f: {  	[tilespmem:s9], [sflag:$0x5] =	stream.indirect_vreg.gather [hbm4b:s4+s2], $0x80, v3, vm0, $0xb8;
	[tilespmem:$0x18200] =	vst v63  }
0x70: {  	s12 =	simm.s32 $0x2  }
0x71: {  	[tilespmem:s11], [sflag:$0x5] =	stream.indirect_vreg.gather [hbm4b:s5+s2], $0x80, v3, vm0, $0xb8;
	[tilespmem:$0x18200] =	vst v63  }
0x72: {  	_ =	swait.ge [sflag:s12], $0x40  }
0x73: {  	[sflag:s12] =	ssyncset.done $0x0  }
0x74: {  	[sflag:s12] =	ssyncadd.s32 $0xFFFFFFC0  }
0x75: {  	v3 =	vld [tilespmem:$0x80];
	_ =	sdelay $0x4  }
0x76: {  	v52 =	vshrl.u32 v3, $0x3  }
0x77: {  	v4 =	vmul.u32 $0x30, v52  }
0x78: {  	v3 =	vand.u32 $0x7, v3  }
0x79: {  	v3 =	vor.u32 v3, v4  }
0x7a: {  	v4 =	vperm.xlane v3, v0;
	_ =	sdelay $0x1  }
0x7b: {  	v4 =	vadd.s32 v1, v4;
	_ =	sdelay $0x3  }
0x7c: {  	v3 =	vperm.xlane v3, v2  }
0x7d: {  	[tilespmem:s14], [sflag:$0x6] =	stream.indirect_vreg.gather [hbm4b:s3+s2], $0x80, v4, vm0, $0xb8;
	[tilespmem:$0x18200] =	vst v63  }
0x7e: {  	s16 =	simm.s32 $0xCA00;
	v3 =	vadd.s32 v1, v3  }
0x7f: {  	[tilespmem:s16], [sflag:$0x6] =	stream.indirect_vreg.gather [hbm4b:s4+s2], $0x80, v4, vm0, $0xb8;
	[tilespmem:$0x18200] =	vst v63  }
0x80: {  	s12 =	simm.s32 $0xD200  }
0x81: {  	[tilespmem:s12], [sflag:$0x6] =	stream.indirect_vreg.gather [hbm4b:s5+s2], $0x80, v4, vm0, $0xb8;
	[tilespmem:$0x18200] =	vst v63  }
0x82: {  	s16 =	simm.s32 $0xDA00  }
0x83: {  	[tilespmem:s16], [sflag:$0x6] =	stream.indirect_vreg.gather [hbm4b:s3+s2], $0x80, v3, vm0, $0xb8;
	[tilespmem:$0x18200] =	vst v63  }
0x84: {  	s12 =	simm.s32 $0xE200  }
0x85: {  	[tilespmem:s12], [sflag:$0x6] =	stream.indirect_vreg.gather [hbm4b:s4+s2], $0x80, v3, vm0, $0xb8;
	[tilespmem:$0x18200] =	vst v63  }
0x86: {  	s16 =	simm.s32 $0xEA00  }
0x87: {  	[tilespmem:s16], [sflag:$0x6] =	stream.indirect_vreg.gather [hbm4b:s5+s2], $0x80, v3, vm0, $0xb8;
	[tilespmem:$0x18200] =	vst v63  }
0x88: {  	v3 =	vld [tilespmem:$0x90];
	_ =	sdelay $0x4  }
0x89: {  	v53 =	vshrl.u32 v3, $0x3  }
0x8a: {  	v4 =	vmul.u32 $0x30, v53  }
0x8b: {  	v3 =	vand.u32 $0x7, v3  }
0x8c: {  	v3 =	vor.u32 v3, v4  }
0x8d: {  	v4 =	vperm.xlane v3, v0;
	_ =	sdelay $0x1  }
0x8e: {  	v4 =	vadd.s32 v1, v4;
	_ =	sdelay $0x3  }
0x8f: {  	s12 =	simm.s32 $0xF200;
	v3 =	vperm.xlane v3, v2  }
0x90: {  	[tilespmem:s12], [sflag:$0x6] =	stream.indirect_vreg.gather [hbm4b:s3+s2], $0x80, v4, vm0, $0xb8;
	[tilespmem:$0x18200] =	vst v63  }
0x91: {  	s16 =	simm.s32 $0xFA00;
	v3 =	vadd.s32 v1, v3  }
0x92: {  	[tilespmem:s16], [sflag:$0x6] =	stream.indirect_vreg.gather [hbm4b:s4+s2], $0x80, v4, vm0, $0xb8;
	[tilespmem:$0x18200] =	vst v63  }
0x93: {  	s12 =	simm.s32 $0x10200  }
0x94: {  	[tilespmem:s12], [sflag:$0x6] =	stream.indirect_vreg.gather [hbm4b:s5+s2], $0x80, v4, vm0, $0xb8;
	[tilespmem:$0x18200] =	vst v63  }
0x95: {  	s16 =	simm.s32 $0x10A00  }
0x96: {  	[tilespmem:s16], [sflag:$0x6] =	stream.indirect_vreg.gather [hbm4b:s3+s2], $0x80, v3, vm0, $0xb8;
	[tilespmem:$0x18200] =	vst v63  }
0x97: {  	s12 =	simm.s32 $0x11200  }
0x98: {  	[tilespmem:s12], [sflag:$0x6] =	stream.indirect_vreg.gather [hbm4b:s4+s2], $0x80, v3, vm0, $0xb8;
	[tilespmem:$0x18200] =	vst v63  }
0x99: {  	s16 =	simm.s32 $0x11A00  }
0x9a: {  	[tilespmem:s16], [sflag:$0x6] =	stream.indirect_vreg.gather [hbm4b:s5+s2], $0x80, v3, vm0, $0xb8;
	[tilespmem:$0x18200] =	vst v63  }
0x9b: {  	v3 =	vld [tilespmem:$0xA0];
	_ =	sdelay $0x4  }
0x9c: {  	v54 =	vshrl.u32 v3, $0x3  }
0x9d: {  	v4 =	vmul.u32 $0x30, v54  }
0x9e: {  	v3 =	vand.u32 $0x7, v3  }
0x9f: {  	v3 =	vor.u32 v3, v4  }
0xa0: {  	v4 =	vperm.xlane v3, v0;
	_ =	sdelay $0x1  }
0xa1: {  	v4 =	vadd.s32 v1, v4;
	_ =	sdelay $0x3  }
0xa2: {  	s12 =	simm.s32 $0x12200;
	v3 =	vperm.xlane v3, v2  }
0xa3: {  	[tilespmem:s12], [sflag:$0x6] =	stream.indirect_vreg.gather [hbm4b:s3+s2], $0x80, v4, vm0, $0xb8;
	[tilespmem:$0x18200] =	vst v63  }
0xa4: {  	s16 =	simm.s32 $0x12A00;
	v3 =	vadd.s32 v1, v3  }
0xa5: {  	[tilespmem:s16], [sflag:$0x6] =	stream.indirect_vreg.gather [hbm4b:s4+s2], $0x80, v4, vm0, $0xb8;
	[tilespmem:$0x18200] =	vst v63  }
0xa6: {  	s12 =	simm.s32 $0x13200  }
0xa7: {  	[tilespmem:s12], [sflag:$0x6] =	stream.indirect_vreg.gather [hbm4b:s5+s2], $0x80, v4, vm0, $0xb8;
	[tilespmem:$0x18200] =	vst v63  }
0xa8: {  	s16 =	simm.s32 $0x13A00  }
0xa9: {  	[tilespmem:s16], [sflag:$0x6] =	stream.indirect_vreg.gather [hbm4b:s3+s2], $0x80, v3, vm0, $0xb8;
	[tilespmem:$0x18200] =	vst v63  }
0xaa: {  	s12 =	simm.s32 $0x14200  }
0xab: {  	[tilespmem:s12], [sflag:$0x6] =	stream.indirect_vreg.gather [hbm4b:s4+s2], $0x80, v3, vm0, $0xb8;
	[tilespmem:$0x18200] =	vst v63  }
0xac: {  	s16 =	simm.s32 $0x14A00  }
0xad: {  	[tilespmem:s16], [sflag:$0x6] =	stream.indirect_vreg.gather [hbm4b:s5+s2], $0x80, v3, vm0, $0xb8;
	[tilespmem:$0x18200] =	vst v63  }
0xae: {  	v3 =	vld [tilespmem:$0xB0];
	_ =	sdelay $0x4  }
0xaf: {  	v55 =	vshrl.u32 v3, $0x3  }
0xb0: {  	v4 =	vmul.u32 $0x30, v55  }
0xb1: {  	v3 =	vand.u32 $0x7, v3  }
0xb2: {  	v3 =	vor.u32 v3, v4  }
0xb3: {  	v4 =	vperm.xlane v3, v0;
	_ =	sdelay $0x1  }
0xb4: {  	v4 =	vadd.s32 v1, v4;
	_ =	sdelay $0x3  }
0xb5: {  	s12 =	simm.s32 $0x15200;
	v3 =	vperm.xlane v3, v2  }
0xb6: {  	[tilespmem:s12], [sflag:$0x6] =	stream.indirect_vreg.gather [hbm4b:s3+s2], $0x80, v4, vm0, $0xb8;
	[tilespmem:$0x18200] =	vst v63  }
0xb7: {  	s16 =	simm.s32 $0x15A00;
	v3 =	vadd.s32 v1, v3  }
0xb8: {  	[tilespmem:s16], [sflag:$0x6] =	stream.indirect_vreg.gather [hbm4b:s4+s2], $0x80, v4, vm0, $0xb8;
	[tilespmem:$0x18200] =	vst v63  }
0xb9: {  	s12 =	simm.s32 $0x16200  }
0xba: {  	[tilespmem:s12], [sflag:$0x6] =	stream.indirect_vreg.gather [hbm4b:s5+s2], $0x80, v4, vm0, $0xb8;
	[tilespmem:$0x18200] =	vst v63  }
0xbb: {  	s16 =	simm.s32 $0x16A00  }
0xbc: {  	[tilespmem:s16], [sflag:$0x6] =	stream.indirect_vreg.gather [hbm4b:s3+s2], $0x80, v3, vm0, $0xb8;
	[tilespmem:$0x18200] =	vst v63  }
0xbd: {  	s12 =	simm.s32 $0x17200  }
0xbe: {  	[tilespmem:s12], [sflag:$0x6] =	stream.indirect_vreg.gather [hbm4b:s4+s2], $0x80, v3, vm0, $0xb8;
	[tilespmem:$0x18200] =	vst v63  }
0xbf: {  	s0 =	simm.s32 $0x5;
	s16 =	simm.s32 $0x17A00  }
0xc0: {  	[tilespmem:s16], [sflag:$0x6] =	stream.indirect_vreg.gather [hbm4b:s5+s2], $0x80, v3, vm0, $0xb8;
	[tilespmem:$0x18200] =	vst v63  }
0xc1: {  	_ =	swait.ge [sflag:s0], $0xC000  }
0xc2: {  	[sflag:s0] =	ssyncset.done $0x0  }
0xc3: {  	s12 =	simm.s32 $0x200;
	s16 =	rddreg [dreg:$0x7];
	[sflag:s0] =	ssyncadd.s32 $0xFFFF4000  }
0xc4: {  	[hbm4b:s16+s2] =	stream.linear.scatter [tilespmem:s12], [sflag:$0x7], $0xC000, $0x38;
	[tilespmem:$0x18200] =	vst v63  }
0xc5: {  	_ =	swait.ge [sflag:s8], $0xC000  }
0xc6: {  	[sflag:s8] =	ssyncset.done $0x0  }
0xc7: {  	s16 =	simm.s32 $0x3;
	[sflag:s8] =	ssyncadd.s32 $0xFFFF4000  }
0xc8: {  	_ =	swait.ge [sflag:s16], $0x40  }
0xc9: {  	[sflag:s16] =	ssyncset.done $0x0  }
0xca: {  	[sflag:s16] =	ssyncadd.s32 $0xFFFFFFC0  }
0xcb: {  	v3 =	vld [tilespmem:$0x100];
	_ =	sdelay $0x4  }
0xcc: {  	v56 =	vshrl.u32 v3, $0x3  }
0xcd: {  	v4 =	vmul.u32 $0x30, v56  }
0xce: {  	v3 =	vand.u32 $0x7, v3  }
0xcf: {  	v3 =	vor.u32 v3, v4  }
0xd0: {  	v4 =	vperm.xlane v3, v0;
	_ =	sdelay $0x1  }
0xd1: {  	v4 =	vadd.s32 v1, v4;
	_ =	sdelay $0x3  }
0xd2: {  	v3 =	vperm.xlane v3, v2  }
0xd3: {  	[tilespmem:s12], [sflag:$0x5] =	stream.indirect_vreg.gather [hbm4b:s3+s2], $0x80, v4, vm0, $0xb8;
	[tilespmem:$0x18200] =	vst v63  }
0xd4: {  	v3 =	vadd.s32 v1, v3  }
0xd5: {  	[tilespmem:s17], [sflag:$0x5] =	stream.indirect_vreg.gather [hbm4b:s4+s2], $0x80, v4, vm0, $0xb8;
	[tilespmem:$0x18200] =	vst v63  }
0xd6: {  	_ = 	snop  }
0xd7: {  	[tilespmem:s18], [sflag:$0x5] =	stream.indirect_vreg.gather [hbm4b:s5+s2], $0x80, v4, vm0, $0xb8;
	[tilespmem:$0x18200] =	vst v63  }
0xd8: {  	_ = 	snop  }
0xd9: {  	[tilespmem:s19], [sflag:$0x5] =	stream.indirect_vreg.gather [hbm4b:s3+s2], $0x80, v3, vm0, $0xb8;
	[tilespmem:$0x18200] =	vst v63  }
0xda: {  	_ = 	snop  }
0xdb: {  	[tilespmem:s20], [sflag:$0x5] =	stream.indirect_vreg.gather [hbm4b:s4+s2], $0x80, v3, vm0, $0xb8;
	[tilespmem:$0x18200] =	vst v63  }
0xdc: {  	_ = 	snop  }
0xdd: {  	[tilespmem:s21], [sflag:$0x5] =	stream.indirect_vreg.gather [hbm4b:s5+s2], $0x80, v3, vm0, $0xb8;
	[tilespmem:$0x18200] =	vst v63  }
0xde: {  	v3 =	vld [tilespmem:$0x110];
	_ =	sdelay $0x4  }
0xdf: {  	v57 =	vshrl.u32 v3, $0x3  }
0xe0: {  	v4 =	vmul.u32 $0x30, v57  }
0xe1: {  	v3 =	vand.u32 $0x7, v3  }
0xe2: {  	v3 =	vor.u32 v3, v4  }
0xe3: {  	v4 =	vperm.xlane v3, v0;
	_ =	sdelay $0x1  }
0xe4: {  	v4 =	vadd.s32 v1, v4;
	_ =	sdelay $0x3  }
0xe5: {  	v3 =	vperm.xlane v3, v2  }
0xe6: {  	[tilespmem:s22], [sflag:$0x5] =	stream.indirect_vreg.gather [hbm4b:s3+s2], $0x80, v4, vm0, $0xb8;
	[tilespmem:$0x18200] =	vst v63  }
0xe7: {  	v3 =	vadd.s32 v1, v3  }
0xe8: {  	[tilespmem:s23], [sflag:$0x5] =	stream.indirect_vreg.gather [hbm4b:s4+s2], $0x80, v4, vm0, $0xb8;
	[tilespmem:$0x18200] =	vst v63  }
0xe9: {  	_ = 	snop  }
0xea: {  	[tilespmem:s24], [sflag:$0x5] =	stream.indirect_vreg.gather [hbm4b:s5+s2], $0x80, v4, vm0, $0xb8;
	[tilespmem:$0x18200] =	vst v63  }
0xeb: {  	_ = 	snop  }
0xec: {  	[tilespmem:s25], [sflag:$0x5] =	stream.indirect_vreg.gather [hbm4b:s3+s2], $0x80, v3, vm0, $0xb8;
	[tilespmem:$0x18200] =	vst v63  }
0xed: {  	_ = 	snop  }
0xee: {  	[tilespmem:s26], [sflag:$0x5] =	stream.indirect_vreg.gather [hbm4b:s4+s2], $0x80, v3, vm0, $0xb8;
	[tilespmem:$0x18200] =	vst v63  }
0xef: {  	_ = 	snop  }
0xf0: {  	[tilespmem:s28], [sflag:$0x5] =	stream.indirect_vreg.gather [hbm4b:s5+s2], $0x80, v3, vm0, $0xb8;
	[tilespmem:$0x18200] =	vst v63  }
0xf1: {  	v3 =	vld [tilespmem:$0x120];
	_ =	sdelay $0x4  }
0xf2: {  	v58 =	vshrl.u32 v3, $0x3  }
0xf3: {  	v4 =	vmul.u32 $0x30, v58  }
0xf4: {  	v3 =	vand.u32 $0x7, v3  }
0xf5: {  	v3 =	vor.u32 v3, v4  }
0xf6: {  	v4 =	vperm.xlane v3, v0;
	_ =	sdelay $0x1  }
0xf7: {  	v4 =	vadd.s32 v1, v4;
	_ =	sdelay $0x3  }
0xf8: {  	v3 =	vperm.xlane v3, v2  }
0xf9: {  	[tilespmem:s29], [sflag:$0x5] =	stream.indirect_vreg.gather [hbm4b:s3+s2], $0x80, v4, vm0, $0xb8;
	[tilespmem:$0x18200] =	vst v63  }
0xfa: {  	v3 =	vadd.s32 v1, v3  }
0xfb: {  	[tilespmem:s30], [sflag:$0x5] =	stream.indirect_vreg.gather [hbm4b:s4+s2], $0x80, v4, vm0, $0xb8;
	[tilespmem:$0x18200] =	vst v63  }
0xfc: {  	_ = 	snop  }
0xfd: {  	[tilespmem:s31], [sflag:$0x5] =	stream.indirect_vreg.gather [hbm4b:s5+s2], $0x80, v4, vm0, $0xb8;
	[tilespmem:$0x18200] =	vst v63  }
0xfe: {  	s19 =	simm.s32 $0x7A00  }
0xff: {  	[tilespmem:s19], [sflag:$0x5] =	stream.indirect_vreg.gather [hbm4b:s3+s2], $0x80, v3, vm0, $0xb8;
	[tilespmem:$0x18200] =	vst v63  }
0x100: {  	_ = 	snop  }
0x101: {  	[tilespmem:s10], [sflag:$0x5] =	stream.indirect_vreg.gather [hbm4b:s4+s2], $0x80, v3, vm0, $0xb8;
	[tilespmem:$0x18200] =	vst v63  }
0x102: {  	_ = 	snop  }
0x103: {  	[tilespmem:s7], [sflag:$0x5] =	stream.indirect_vreg.gather [hbm4b:s5+s2], $0x80, v3, vm0, $0xb8;
	[tilespmem:$0x18200] =	vst v63  }
0x104: {  	v3 =	vld [tilespmem:$0x130];
	_ =	sdelay $0x4  }
0x105: {  	v59 =	vshrl.u32 v3, $0x3  }
0x106: {  	v4 =	vmul.u32 $0x30, v59  }
0x107: {  	v3 =	vand.u32 $0x7, v3  }
0x108: {  	v3 =	vor.u32 v3, v4  }
0x109: {  	v4 =	vperm.xlane v3, v0;
	_ =	sdelay $0x1  }
0x10a: {  	v4 =	vadd.s32 v1, v4;
	_ =	sdelay $0x3  }
0x10b: {  	v3 =	vperm.xlane v3, v2  }
0x10c: {  	[tilespmem:s1], [sflag:$0x5] =	stream.indirect_vreg.gather [hbm4b:s3+s2], $0x80, v4, vm0, $0xb8;
	[tilespmem:$0x18200] =	vst v63  }
0x10d: {  	v3 =	vadd.s32 v1, v3  }
0x10e: {  	[tilespmem:s13], [sflag:$0x5] =	stream.indirect_vreg.gather [hbm4b:s4+s2], $0x80, v4, vm0, $0xb8;
	[tilespmem:$0x18200] =	vst v63  }
0x10f: {  	_ = 	snop  }
0x110: {  	[tilespmem:s15], [sflag:$0x5] =	stream.indirect_vreg.gather [hbm4b:s5+s2], $0x80, v4, vm0, $0xb8;
	[tilespmem:$0x18200] =	vst v63  }
0x111: {  	s16 =	simm.s32 $0xAA00  }
0x112: {  	[tilespmem:s16], [sflag:$0x5] =	stream.indirect_vreg.gather [hbm4b:s3+s2], $0x80, v3, vm0, $0xb8;
	[tilespmem:$0x18200] =	vst v63  }
0x113: {  	_ = 	snop  }
0x114: {  	[tilespmem:s9], [sflag:$0x5] =	stream.indirect_vreg.gather [hbm4b:s4+s2], $0x80, v3, vm0, $0xb8;
	[tilespmem:$0x18200] =	vst v63  }
0x115: {  	s1 =	simm.s32 $0x6  }
0x116: {  	[tilespmem:s11], [sflag:$0x5] =	stream.indirect_vreg.gather [hbm4b:s5+s2], $0x80, v3, vm0, $0xb8;
	[tilespmem:$0x18200] =	vst v63  }
0x117: {  	_ =	swait.ge [sflag:s1], $0xC000  }
0x118: {  	[sflag:s1] =	ssyncset.done $0x0  }
0x119: {  	s17 =	rddreg [dreg:$0x8];
	[sflag:s1] =	ssyncadd.s32 $0xFFFF4000  }
0x11a: {  	[hbm4b:s17+s2] =	stream.linear.scatter [tilespmem:s14], [sflag:$0x7], $0xC000, $0x38;
	[tilespmem:$0x18200] =	vst v63  }
0x11b: {  	_ =	swait.ge [sflag:s8], $0xC000  }
0x11c: {  	[sflag:s8] =	ssyncset.done $0x0  }
0x11d: {  	s18 =	simm.s32 $0x4;
	[sflag:s8] =	ssyncadd.s32 $0xFFFF4000  }
0x11e: {  	_ =	swait.ge [sflag:s18], $0x40  }
0x11f: {  	[sflag:s18] =	ssyncset.done $0x0  }
0x120: {  	[sflag:s18] =	ssyncadd.s32 $0xFFFFFFC0  }
0x121: {  	v3 =	vld [tilespmem:$0x180];
	_ =	sdelay $0x4  }
0x122: {  	v60 =	vshrl.u32 v3, $0x3  }
0x123: {  	v4 =	vmul.u32 $0x30, v60  }
0x124: {  	v3 =	vand.u32 $0x7, v3  }
0x125: {  	v3 =	vor.u32 v3, v4  }
0x126: {  	v4 =	vperm.xlane v3, v0;
	_ =	sdelay $0x1  }
0x127: {  	v4 =	vadd.s32 v1, v4;
	_ =	sdelay $0x3  }
0x128: {  	v3 =	vperm.xlane v3, v2  }
0x129: {  	[tilespmem:s14], [sflag:$0x6] =	stream.indirect_vreg.gather [hbm4b:s3+s2], $0x80, v4, vm0, $0xb8;
	[tilespmem:$0x18200] =	vst v63  }
0x12a: {  	s19 =	simm.s32 $0xCA00;
	v3 =	vadd.s32 v1, v3  }
0x12b: {  	[tilespmem:s19], [sflag:$0x6] =	stream.indirect_vreg.gather [hbm4b:s4+s2], $0x80, v4, vm0, $0xb8;
	[tilespmem:$0x18200] =	vst v63  }
0x12c: {  	s12 =	simm.s32 $0xD200  }
0x12d: {  	[tilespmem:s12], [sflag:$0x6] =	stream.indirect_vreg.gather [hbm4b:s5+s2], $0x80, v4, vm0, $0xb8;
	[tilespmem:$0x18200] =	vst v63  }
0x12e: {  	s16 =	simm.s32 $0xDA00  }
0x12f: {  	[tilespmem:s16], [sflag:$0x6] =	stream.indirect_vreg.gather [hbm4b:s3+s2], $0x80, v3, vm0, $0xb8;
	[tilespmem:$0x18200] =	vst v63  }
0x130: {  	s17 =	simm.s32 $0xE200  }
0x131: {  	[tilespmem:s17], [sflag:$0x6] =	stream.indirect_vreg.gather [hbm4b:s4+s2], $0x80, v3, vm0, $0xb8;
	[tilespmem:$0x18200] =	vst v63  }
0x132: {  	s18 =	simm.s32 $0xEA00  }
0x133: {  	[tilespmem:s18], [sflag:$0x6] =	stream.indirect_vreg.gather [hbm4b:s5+s2], $0x80, v3, vm0, $0xb8;
	[tilespmem:$0x18200] =	vst v63  }
0x134: {  	v3 =	vld [tilespmem:$0x190];
	_ =	sdelay $0x4  }
0x135: {  	v61 =	vshrl.u32 v3, $0x3  }
0x136: {  	v4 =	vmul.u32 $0x30, v61  }
0x137: {  	v3 =	vand.u32 $0x7, v3  }
0x138: {  	v3 =	vor.u32 v3, v4  }
0x139: {  	v4 =	vperm.xlane v3, v0;
	_ =	sdelay $0x1  }
0x13a: {  	v4 =	vadd.s32 v1, v4;
	_ =	sdelay $0x3  }
0x13b: {  	s19 =	simm.s32 $0xF200;
	v3 =	vperm.xlane v3, v2  }
0x13c: {  	[tilespmem:s19], [sflag:$0x6] =	stream.indirect_vreg.gather [hbm4b:s3+s2], $0x80, v4, vm0, $0xb8;
	[tilespmem:$0x18200] =	vst v63  }
0x13d: {  	s12 =	simm.s32 $0xFA00;
	v3 =	vadd.s32 v1, v3  }
0x13e: {  	[tilespmem:s12], [sflag:$0x6] =	stream.indirect_vreg.gather [hbm4b:s4+s2], $0x80, v4, vm0, $0xb8;
	[tilespmem:$0x18200] =	vst v63  }
0x13f: {  	s16 =	simm.s32 $0x10200  }
0x140: {  	[tilespmem:s16], [sflag:$0x6] =	stream.indirect_vreg.gather [hbm4b:s5+s2], $0x80, v4, vm0, $0xb8;
	[tilespmem:$0x18200] =	vst v63  }
0x141: {  	s17 =	simm.s32 $0x10A00  }
0x142: {  	[tilespmem:s17], [sflag:$0x6] =	stream.indirect_vreg.gather [hbm4b:s3+s2], $0x80, v3, vm0, $0xb8;
	[tilespmem:$0x18200] =	vst v63  }
0x143: {  	s18 =	simm.s32 $0x11200  }
0x144: {  	[tilespmem:s18], [sflag:$0x6] =	stream.indirect_vreg.gather [hbm4b:s4+s2], $0x80, v3, vm0, $0xb8;
	[tilespmem:$0x18200] =	vst v63  }
0x145: {  	s19 =	simm.s32 $0x11A00  }
0x146: {  	[tilespmem:s19], [sflag:$0x6] =	stream.indirect_vreg.gather [hbm4b:s5+s2], $0x80, v3, vm0, $0xb8;
	[tilespmem:$0x18200] =	vst v63  }
0x147: {  	v3 =	vld [tilespmem:$0x1A0];
	_ =	sdelay $0x4  }
0x148: {  	v62 =	vshrl.u32 v3, $0x3  }
0x149: {  	v4 =	vmul.u32 $0x30, v62  }
0x14a: {  	v3 =	vand.u32 $0x7, v3  }
0x14b: {  	v3 =	vor.u32 v3, v4  }
0x14c: {  	v4 =	vperm.xlane v3, v0;
	_ =	sdelay $0x1  }
0x14d: {  	v4 =	vadd.s32 v1, v4;
	_ =	sdelay $0x3  }
0x14e: {  	s12 =	simm.s32 $0x12200;
	v3 =	vperm.xlane v3, v2  }
0x14f: {  	[tilespmem:s12], [sflag:$0x6] =	stream.indirect_vreg.gather [hbm4b:s3+s2], $0x80, v4, vm0, $0xb8;
	[tilespmem:$0x18200] =	vst v63  }
0x150: {  	s16 =	simm.s32 $0x12A00;
	v3 =	vadd.s32 v1, v3  }
0x151: {  	[tilespmem:s16], [sflag:$0x6] =	stream.indirect_vreg.gather [hbm4b:s4+s2], $0x80, v4, vm0, $0xb8;
	[tilespmem:$0x18200] =	vst v63  }
0x152: {  	s17 =	simm.s32 $0x13200  }
0x153: {  	[tilespmem:s17], [sflag:$0x6] =	stream.indirect_vreg.gather [hbm4b:s5+s2], $0x80, v4, vm0, $0xb8;
	[tilespmem:$0x18200] =	vst v63  }
0x154: {  	s18 =	simm.s32 $0x13A00  }
0x155: {  	[tilespmem:s18], [sflag:$0x6] =	stream.indirect_vreg.gather [hbm4b:s3+s2], $0x80, v3, vm0, $0xb8;
	[tilespmem:$0x18200] =	vst v63  }
0x156: {  	s19 =	simm.s32 $0x14200  }
0x157: {  	[tilespmem:s19], [sflag:$0x6] =	stream.indirect_vreg.gather [hbm4b:s4+s2], $0x80, v3, vm0, $0xb8;
	[tilespmem:$0x18200] =	vst v63  }
0x158: {  	s12 =	simm.s32 $0x14A00  }
0x159: {  	[tilespmem:s12], [sflag:$0x6] =	stream.indirect_vreg.gather [hbm4b:s5+s2], $0x80, v3, vm0, $0xb8;
	[tilespmem:$0x18200] =	vst v63  }
0x15a: {  	v3 =	vld [tilespmem:$0x1B0];
	_ =	sdelay $0x4  }
0x15b: {  	v63 =	vshrl.u32 v3, $0x3  }
0x15c: {  	v4 =	vmul.u32 $0x30, v63  }
0x15d: {  	v3 =	vand.u32 $0x7, v3  }
0x15e: {  	v3 =	vor.u32 v3, v4  }
0x15f: {  	v4 =	vperm.xlane v3, v0;
	_ =	sdelay $0x1  }
0x160: {  	v4 =	vadd.s32 v1, v4;
	_ =	sdelay $0x3  }
0x161: {  	s16 =	simm.s32 $0x15200;
	v3 =	vperm.xlane v3, v2  }
0x162: {  	[tilespmem:s16], [sflag:$0x6] =	stream.indirect_vreg.gather [hbm4b:s3+s2], $0x80, v4, vm0, $0xb8;
	[tilespmem:$0x18200] =	vst v63  }
0x163: {  	s17 =	simm.s32 $0x15A00;
	v3 =	vadd.s32 v1, v3  }
0x164: {  	[tilespmem:s17], [sflag:$0x6] =	stream.indirect_vreg.gather [hbm4b:s4+s2], $0x80, v4, vm0, $0xb8;
	[tilespmem:$0x18200] =	vst v63  }
0x165: {  	s18 =	simm.s32 $0x16200  }
0x166: {  	[tilespmem:s18], [sflag:$0x6] =	stream.indirect_vreg.gather [hbm4b:s5+s2], $0x80, v4, vm0, $0xb8;
	[tilespmem:$0x18200] =	vst v63  }
0x167: {  	s19 =	simm.s32 $0x16A00  }
0x168: {  	[tilespmem:s19], [sflag:$0x6] =	stream.indirect_vreg.gather [hbm4b:s3+s2], $0x80, v3, vm0, $0xb8;
	[tilespmem:$0x18200] =	vst v63  }
0x169: {  	s12 =	simm.s32 $0x17200  }
0x16a: {  	[tilespmem:s12], [sflag:$0x6] =	stream.indirect_vreg.gather [hbm4b:s4+s2], $0x80, v3, vm0, $0xb8;
	[tilespmem:$0x18200] =	vst v63  }
0x16b: {  	s16 =	simm.s32 $0x17A00  }
0x16c: {  	[tilespmem:s16], [sflag:$0x6] =	stream.indirect_vreg.gather [hbm4b:s5+s2], $0x80, v3, vm0, $0xb8;
	[tilespmem:$0x18200] =	vst v63  }
0x16d: {  	_ =	swait.ge [sflag:s0], $0xC000  }
0x16e: {  	[sflag:s0] =	ssyncset.done $0x0  }
0x16f: {  	s18 =	simm.s32 $0x200;
	s17 =	rddreg [dreg:$0x9];
	[sflag:s0] =	ssyncadd.s32 $0xFFFF4000  }
0x170: {  	[hbm4b:s17+s2] =	stream.linear.scatter [tilespmem:s18], [sflag:$0x7], $0xC000, $0x38;
	[tilespmem:$0x18200] =	vst v63  }
0x171: {  	_ =	swait.ge [sflag:s8], $0xC000  }
0x172: {  	[sflag:s8] =	ssyncset.done $0x0  }
0x173: {  	[sflag:s8] =	ssyncadd.s32 $0xFFFF4000  }
0x174: {  	_ =	swait.ge [sflag:s1], $0xC000  }
0x175: {  	p0 =	sne.s32 s6, $0x1;
	[sflag:s1] =	ssyncset.done $0x0  }
.Ltmp0:
0x176: {  	s19 =	rddreg [dreg:$0xa];
	[sflag:s1] =	ssyncadd.s32 $0xFFFF4000;
	(pc) =	sbr.rel @p0 .LBB2_1-.Ltmp0, $4  }
0x177: {  	[hbm4b:s19+s2] =	stream.linear.scatter [tilespmem:s14], [sflag:$0x7], $0xC000, $0x38;
	[tilespmem:$0x18200] =	vst v63  }
0x178: {  	_ =	swait.ge [sflag:s8], $0xC000  }
0x179: {  	[sflag:s8] =	ssyncset.done $0x0  }
0x17a: {  	s6 =	sadd.s32 $0xFFFFFFFF, s6;
	[sflag:s8] =	ssyncadd.s32 $0xFFFF4000  }
0x17b: {  	_ =	sfence.sel $0x180000  }
0x17c: {  	[bflag:$0x0] =	sbarrier.arrive $0xFFFF  }
0x17d: {  	_ =	strace $0x9000004A  }
0x17e: {  	s0 =	stileid.u32;
	[bflag:$0x2] =	sbarrier.arrive $0xFFFF  }
0x17f: {  	p0 =	sne.s32 s0, $0x0;
	s0 =	rddreg [dreg:$0x2]  }
0x180: {  	s0 =	sadd.s32 @!p0 $0x100000, s0  }
0x181: {  	[sflag:s0] =	ssyncadd.tile.s32 @!p0 $0x1;
	_ =	shalt  }
.Lfunc_end2:
_tile_overlayer_lowered:
.L_overlay_start_2:
0x182: {  	(tag) =	ssettag $0x2  }
0x183: {  	s0 =	rddreg [dreg:$0x0];
	s2 =	stileid.u32  }
0x184: {  	s1 =	rddreg [dreg:$0x1];
	p0 =	sne.s32 s2, $0x0  }
0x185: {  	s3 =	rddreg [dreg:$0x2];
	[bflag:$0x3] =	sbarrier.arrive $0xFFFF;
	s2 =	simm.s32 @!p0 $0x1C07  }
0x186: {  	[timem:s3], [sflag:s2] =	dma.local @!p0 [hbm:s0], s1  }
0x187: {  	s0 =	simm.s32 @!p0 $0x7  }
0x188: {  	_ =	swait.ge @!p0 [sflag:s0], s1  }
0x189: {  	s1 =	ssub.s32 @!p0 $0x0, s1;
	[sflag:s0] =	ssyncset.done @!p0 $0x0  }
0x18a: {  	[sflag:s0] =	ssyncadd.s32 @!p0 s1  }
0x18b: {  	[bflag:$0x3] =	sbarrier.arrive $0xFFFF  }
0x18c: {  	_ =	shalt  }

</sc_bundles>
